<compile_context>
chip_gen: v7x
topology: tpu7x:2x2x1
jax: 0.10.2.dev20260603
libtpu: 0.0.44.dev20260713+nightly
codegen_flags: <defaults>
</compile_context>

<pallas_src>
import functools

import jax
import jax.numpy as jnp
from jax import lax
from jax.experimental import pallas as pl
from jax.experimental.pallas import tpu as pltpu
from jax.experimental.pallas import tpu_sc as plsc

N_NODES = 10000
N_PAD = 10240
N_EDGES = 320000
D_IN = 128
D_HID = 16

NC = 2
NS = 16
NW = NC * NS
K = 128
WIN = 80
E_PAD = NW * WIN * K
ROWS_W = N_PAD // NS
WROWS = N_PAD // 8
WREAL = N_NODES // 8

_MESH = plsc.VectorSubcoreMesh(core_axis_name="c", subcore_axis_name="s")
_SC_PARAMS = pltpu.CompilerParams(use_tc_tiling_on_sc=False)



@functools.partial(
    pl.kernel,
    out_type=jax.ShapeDtypeStruct((NC, N_PAD), jnp.float32),
    mesh=_MESH,
    scratch_types=[
        pltpu.VMEM((WIN, K), jnp.int32),
        pltpu.VMEM((K,), jnp.float32),
        pltpu.VMEM_SHARED((N_PAD,), jnp.float32),
    ],
    compiler_params=_SC_PARAMS,
)
def _sc_degree(edges_hbm, ones_hbm, zeros_hbm, out_hbm, idx_v, ones_v, acc_sh):
    c = lax.axis_index("c")
    s = lax.axis_index("s")
    w = c * NS + s
    pltpu.sync_copy(ones_hbm, ones_v)
    pltpu.sync_copy(zeros_hbm.at[pl.ds(0, ROWS_W)],
                    acc_sh.at[pl.ds(s * ROWS_W, ROWS_W)])
    pltpu.sync_copy(edges_hbm.at[1].at[pl.ds(w * WIN, WIN)], idx_v)
    plsc.subcore_barrier()

    @pl.loop(0, WIN)
    def _(j):
        pltpu.sync_copy(ones_v, acc_sh.at[idx_v.at[j]], add=True)

    plsc.subcore_barrier()
    pltpu.sync_copy(acc_sh.at[pl.ds(s * ROWS_W, ROWS_W)],
                    out_hbm.at[c].at[pl.ds(s * ROWS_W, ROWS_W)])


@functools.partial(
    pl.kernel,
    out_type=jax.ShapeDtypeStruct((NC, N_PAD, D_HID), jnp.float32),
    mesh=_MESH,
    scratch_types=[
        pltpu.VMEM((WIN, K), jnp.int32),
        pltpu.VMEM((WIN, K), jnp.int32),
        pltpu.VMEM((K, D_HID), jnp.float32),
        pltpu.VMEM((K, D_HID), jnp.float32),
        pltpu.VMEM((K, D_HID), jnp.float32),
        pltpu.VMEM((K, D_HID), jnp.float32),
        pltpu.VMEM_SHARED((N_PAD, D_HID), jnp.float32),
        pltpu.VMEM_SHARED((N_PAD, D_HID), jnp.float32),
        pltpu.SemaphoreType.DMA,
        pltpu.SemaphoreType.DMA,
        pltpu.SemaphoreType.DMA,
    ],
    compiler_params=_SC_PARAMS,
)
def _sc_aggregate(table_hbm, edges_hbm, zeros_hbm, out_hbm,
                  src_v, dst_v, rows_a, rows_b, rows_c, rows_d,
                  tab_sh, acc_sh, sem_p, sem_g, sem_s):
    c = lax.axis_index("c")
    s = lax.axis_index("s")
    w = c * NS + s
    prologue = [
        (table_hbm.at[pl.ds(s * ROWS_W, ROWS_W)],
         tab_sh.at[pl.ds(s * ROWS_W, ROWS_W)]),
        (zeros_hbm, acc_sh.at[pl.ds(s * ROWS_W, ROWS_W)]),
        (edges_hbm.at[0].at[pl.ds(w * WIN, WIN)], src_v),
        (edges_hbm.at[1].at[pl.ds(w * WIN, WIN)], dst_v),
    ]
    for a, b in prologue:
        pltpu.async_copy(a, b, sem_p)
    for a, b in prologue:
        pltpu.make_async_copy(a, b, sem_p).wait()
    plsc.subcore_barrier()

    bufs = (rows_a, rows_b, rows_c, rows_d)
    for b, buf in enumerate(bufs):
        pltpu.async_copy(tab_sh.at[src_v.at[b]], buf, sem_g)

    @pl.loop(0, WIN, step=4)
    def _(j):
        for b, buf in enumerate(bufs):
            pltpu.make_async_copy(tab_sh.at[src_v.at[j + b]], buf, sem_g).wait()
            pltpu.async_copy(buf, acc_sh.at[dst_v.at[j + b]], sem_s, add=True)
        for b, buf in enumerate(bufs):
            pltpu.make_async_copy(buf, acc_sh.at[dst_v.at[j + b]], sem_s).wait()

            @pl.when(j + 4 + b < WIN)
            def _():
                pltpu.async_copy(tab_sh.at[src_v.at[j + 4 + b]], buf, sem_g)

    plsc.subcore_barrier()
    pltpu.sync_copy(acc_sh.at[pl.ds(s * ROWS_W, ROWS_W)],
                    out_hbm.at[c].at[pl.ds(s * ROWS_W, ROWS_W)])



def _tc_head_body(x2_ref, w1k_ref, deg_ref, e8_ref, xwsw_ref, dinvw_ref):
    d8 = deg_ref[0] + deg_ref[1] + 1.0
    dinv8 = 1.0 / jnp.sqrt(d8)
    dinvw = jnp.dot(dinv8, e8_ref[...],
                    preferred_element_type=jnp.float32)
    dinvw_ref[...] = dinvw
    xww = jnp.dot(x2_ref[...], w1k_ref[...],
                  preferred_element_type=jnp.float32)
    xwsw_ref[0:WREAL, :] = xww * dinvw[0:WREAL, :]
    xwsw_ref[WREAL:WROWS, :] = jnp.zeros((WROWS - WREAL, 8 * D_HID),
                                         jnp.float32)


def _tc_mid_body(p_ref, xwsw_ref, dinvw_ref, b1w_ref, hsw_ref):
    agg = p_ref[0] + p_ref[1]
    t = dinvw_ref[...] * (agg + xwsw_ref[...]) + b1w_ref[...]
    hsw = dinvw_ref[...] * jnp.maximum(t, 0.0)
    hsw_ref[0:WREAL, :] = hsw[0:WREAL, :]
    hsw_ref[WREAL:WROWS, :] = jnp.zeros((WROWS - WREAL, 8 * D_HID),
                                        jnp.float32)


def _tc_final_body(q_ref, hsw_ref, dinvw_ref, w2k_ref, b2w_ref, out_ref):
    z = dinvw_ref[...] * (q_ref[0] + q_ref[1] + hsw_ref[...])
    o = jnp.dot(z, w2k_ref[...],
                preferred_element_type=jnp.float32) + b2w_ref[...]
    lane = lax.broadcasted_iota(jnp.int32, (1, 16), 1)
    even = (lane % 2) == 0
    partner = jnp.where(even, jnp.roll(o, -1, axis=1), jnp.roll(o, 1, axis=1))
    m = jnp.maximum(o, partner)
    e = jnp.exp(o - m)
    pe = jnp.where(even, jnp.roll(e, -1, axis=1), jnp.roll(e, 1, axis=1))
    out_ref[...] = o - (m + jnp.log(e + pe))


def _f32(shape):
    return jax.ShapeDtypeStruct(shape, jnp.float32)


def kernel(x, edge_index, W1, b1, W2, b2):
    f32 = jnp.float32
    ei = edge_index.astype(jnp.int32).reshape(2, N_EDGES // K, K)
    padrow = ((lax.iota(jnp.int32, (E_PAD - N_EDGES)) % (N_PAD - N_NODES))
              + N_NODES).reshape(1, (E_PAD - N_EDGES) // K, K)
    edges = jnp.concatenate(
        [ei, jnp.concatenate([padrow, padrow], axis=0)], axis=1)

    ones_k = jnp.ones((K,), f32)
    zeros_deg = jnp.zeros((ROWS_W,), f32)
    zeros_rows = jnp.zeros((ROWS_W, D_HID), f32)
    e8 = jnp.kron(jnp.eye(8, dtype=f32), jnp.ones((1, D_HID), f32))
    w1k = jnp.kron(jnp.eye(8, dtype=f32), W1)
    w2k = jnp.kron(jnp.eye(8, dtype=f32), W2)
    b1w = jnp.tile(b1, 8).reshape(1, 8 * D_HID)
    b2w = jnp.tile(b2, 8).reshape(1, 16)

    deg = _sc_degree(edges, ones_k, zeros_deg)

    xwsw, dinvw = pl.pallas_call(
        _tc_head_body,
        out_shape=(_f32((WROWS, 8 * D_HID)), _f32((WROWS, 8 * D_HID))),
    )(x.reshape(WREAL, 8 * D_IN), w1k, deg.reshape(2, WROWS, 8), e8)

    p = _sc_aggregate(xwsw.reshape(N_PAD, D_HID), edges, zeros_rows)

    hsw = pl.pallas_call(
        _tc_mid_body,
        out_shape=_f32((WROWS, 8 * D_HID)),
    )(p.reshape(NC, WROWS, 8 * D_HID), xwsw, dinvw, b1w)

    q = _sc_aggregate(hsw.reshape(N_PAD, D_HID), edges, zeros_rows)

    outw = pl.pallas_call(
        _tc_final_body,
        out_shape=_f32((WROWS, 16)),
    )(q.reshape(NC, WROWS, 8 * D_HID), hsw, dinvw, w2k, b2w)

    return outw[0:WREAL].reshape(N_NODES, 2)

# --- scband reference (transcript-rebuilt; emitter-appended) ---
"""Pipeline reference for scband-net-64682207478622 (READ-ONLY COPY).

The authoritative reference and input builder live on the scoring server;
editing this copy changes nothing except your own understanding.
"""

import jax, jax.numpy as jnp
import numpy as np

N_NODES = 10000
N_EDGES = 320000
D_IN = 128
D_HID = 16
D_OUT = 2


def gcn_conv(x, edge_index, W, b):
    # Faithful GCNConv: add self-loops, symmetric normalization, linear, scatter-add aggregate.
    num_nodes = x.shape[0]
    src = edge_index[0]
    dst = edge_index[1]
    loops = jnp.arange(num_nodes, dtype=edge_index.dtype)
    src = jnp.concatenate([src, loops])
    dst = jnp.concatenate([dst, loops])
    # degree computed on dst (col) as in PyG default flow
    deg = jnp.zeros((num_nodes,), dtype=x.dtype).at[dst].add(1.0)
    deg_inv_sqrt = jnp.where(deg > 0, 1.0 / jnp.sqrt(deg), 0.0)
    norm = deg_inv_sqrt[src] * deg_inv_sqrt[dst]
    xw = x @ W  # linear transform first (small out dim)
    msg = xw[src] * norm[:, None]  # gather + scale
    out = jnp.zeros((num_nodes, W.shape[1]), dtype=x.dtype).at[dst].add(msg)  # scatter-add
    return out + b


def setup_inputs(seed: int = 0) -> dict:
    key = jax.random.key(seed)
    k1, k2, k3, k4, k5, k6 = jax.random.split(key, 6)
    x = jax.random.normal(k1, (N_NODES, D_IN), dtype=jnp.float32)
    edge_index = jax.random.randint(k2, (2, N_EDGES), 0, N_NODES, dtype=jnp.int64)
    # Glorot-style init for GCN weights
    W1 = jax.random.normal(k3, (D_IN, D_HID), dtype=jnp.float32) * (1.0 / np.sqrt(D_IN))
    b1 = jnp.zeros((D_HID,), dtype=jnp.float32)
    W2 = jax.random.normal(k4, (D_HID, D_OUT), dtype=jnp.float32) * (1.0 / np.sqrt(D_HID))
    b2 = jnp.zeros((D_OUT,), dtype=jnp.float32)
    return {"x": x, "edge_index": edge_index, "W1": W1, "b1": b1, "W2": W2, "b2": b2}


def reference(x, edge_index, W1, b1, W2, b2):
    h = jax.nn.relu(gcn_conv(x, edge_index, W1, b1))
    # F.dropout(x, training=self.training): identity in eval mode
    out = gcn_conv(h, edge_index, W2, b2)
    return jax.nn.log_softmax(out, axis=1)

if __name__ == "__main__":
    import jax
    _d = setup_inputs()
    print(jax.jit(kernel)(*tuple(_d.values())))

</pallas_src>

<mosaic_0001>
#map = affine_map<(d0, d1) -> (0, 0, 0)>
#map1 = affine_map<(d0, d1) -> (0)>
#map2 = affine_map<(d0, d1) -> (0, 0)>
module attributes {stable_mosaic.version = 14 : i64} {
  func.func @_sc_degree(%arg0: i32, %arg1: i32, %arg2: memref<2x2560x128xi32, #tpu.memory_space<hbm>>, %arg3: memref<128xf32, #tpu.memory_space<hbm>>, %arg4: memref<640xf32, #tpu.memory_space<hbm>>, %arg5: memref<2x10240xf32, #tpu.memory_space<hbm>>, %arg6: memref<80x128xi32, #tpu.memory_space<vmem>>, %arg7: memref<128xf32, #tpu.memory_space<vmem>>, %arg8: memref<10240xf32, #tpu.memory_space<vmem_shared>>) attributes {dimension_semantics = [#tpu.dimension_semantics<core_parallel>, #tpu.dimension_semantics<subcore_parallel>], iteration_bounds = array<i64: 2, 16>, scalar_prefetch = 0 : i64, scratch_operands = 3 : i64, tpu.core_type = #tpu.core_type<sc_vector_subcore>, window_params = [{transform_indices = #map}, {transform_indices = #map1}, {transform_indices = #map1}, {transform_indices = #map2}]} {
    %mul3A = arith.constant 16 : i32
    %mul3A_0 = arith.muli %arg0, %mul3A : i32
    %add3A = arith.addi %mul3A_0, %arg1 : i32
    "tpu.region"() ({
      %run_scoped3A_14 = tpu.sem_alloc : memref<!tpu.dma_semaphore, #tpu.memory_space<semaphore_mem>>
      tpu.enqueue_dma source(%arg3 : memref<128xf32, #tpu.memory_space<hbm>>) target(%arg7 : memref<128xf32, #tpu.memory_space<vmem>>) target_semaphore(%run_scoped3A_14 : memref<!tpu.dma_semaphore, #tpu.memory_space<semaphore_mem>>)
      tpu.wait_dma2 semaphore(%run_scoped3A_14 : memref<!tpu.dma_semaphore, #tpu.memory_space<semaphore_mem>>) src(%arg3 : memref<128xf32, #tpu.memory_space<hbm>>) dst(%arg7 : memref<128xf32, #tpu.memory_space<vmem>>)
      tpu.yield
    }) : () -> ()
    %mul3A_1 = arith.constant 640 : i32
    %mul3A_2 = arith.muli %arg1, %mul3A_1 : i32
    "tpu.region"() ({
      %run_scoped3A_14 = tpu.sem_alloc : memref<!tpu.dma_semaphore, #tpu.memory_space<semaphore_mem>>
      %dma_start3A = tpu.memref_slice %arg8[%mul3A_2] : memref<10240xf32, #tpu.memory_space<vmem_shared>> -> memref<640xf32, #tpu.memory_space<vmem_shared>>
      %dma_start3A_15 = arith.constant 0 : i32
      %dma_start3A_16 = tpu.memref_slice %arg4[%dma_start3A_15] : memref<640xf32, #tpu.memory_space<hbm>> -> memref<640xf32, #tpu.memory_space<hbm>>
      tpu.enqueue_dma source(%dma_start3A_16 : memref<640xf32, #tpu.memory_space<hbm>>) target(%dma_start3A : memref<640xf32, #tpu.memory_space<vmem_shared>>) target_semaphore(%run_scoped3A_14 : memref<!tpu.dma_semaphore, #tpu.memory_space<semaphore_mem>>)
      %dma_wait3A = tpu.memref_slice %arg8[%mul3A_2] : memref<10240xf32, #tpu.memory_space<vmem_shared>> -> memref<640xf32, #tpu.memory_space<vmem_shared>>
      %dma_wait3A_17 = arith.constant 0 : i32
      %dma_wait3A_18 = tpu.memref_slice %arg4[%dma_wait3A_17] : memref<640xf32, #tpu.memory_space<hbm>> -> memref<640xf32, #tpu.memory_space<hbm>>
      tpu.wait_dma2 semaphore(%run_scoped3A_14 : memref<!tpu.dma_semaphore, #tpu.memory_space<semaphore_mem>>) src(%dma_wait3A_18 : memref<640xf32, #tpu.memory_space<hbm>>) dst(%dma_wait3A : memref<640xf32, #tpu.memory_space<vmem_shared>>)
      tpu.yield
    }) : () -> ()
    %mul3A_3 = arith.constant 80 : i32
    %mul3A_4 = arith.muli %add3A, %mul3A_3 : i32
    %run_scoped3A = arith.constant 1 : i32
    "tpu.region"() ({
      %run_scoped3A_14 = tpu.sem_alloc : memref<!tpu.dma_semaphore, #tpu.memory_space<semaphore_mem>>
      %dma_start3A = arith.constant 0 : i32
      %dma_start3A_15 = arith.constant 0 : i32
      %dma_start3A_16 = tpu.memref_slice %arg2[%run_scoped3A, %dma_start3A, %dma_start3A_15] : memref<2x2560x128xi32, #tpu.memory_space<hbm>> -> memref<1x2560x128xi32, #tpu.memory_space<hbm>>
      %dma_start3A_17 = tpu.memref_squeeze %dma_start3A_16 : memref<1x2560x128xi32, #tpu.memory_space<hbm>> -> memref<2560x128xi32, #tpu.memory_space<hbm>>
      %dma_start3A_18 = arith.constant 0 : i32
      %dma_start3A_19 = tpu.memref_slice %dma_start3A_17[%mul3A_4, %dma_start3A_18] : memref<2560x128xi32, #tpu.memory_space<hbm>> -> memref<80x128xi32, #tpu.memory_space<hbm>>
      %dma_start3A_20 = arith.constant 0 : i32
      %dma_start3A_21 = arith.constant 0 : i32
      %dma_start3A_22 = tpu.memref_slice %arg2[%run_scoped3A, %dma_start3A_20, %dma_start3A_21] : memref<2x2560x128xi32, #tpu.memory_space<hbm>> -> memref<1x2560x128xi32, #tpu.memory_space<hbm>>
      %dma_start3A_23 = tpu.memref_squeeze %dma_start3A_22 : memref<1x2560x128xi32, #tpu.memory_space<hbm>> -> memref<2560x128xi32, #tpu.memory_space<hbm>>
      %dma_start3A_24 = arith.constant 0 : i32
      %dma_start3A_25 = tpu.memref_slice %dma_start3A_23[%mul3A_4, %dma_start3A_24] : memref<2560x128xi32, #tpu.memory_space<hbm>> -> memref<80x128xi32, #tpu.memory_space<hbm>>
      tpu.enqueue_dma source(%dma_start3A_25 : memref<80x128xi32, #tpu.memory_space<hbm>>) target(%arg6 : memref<80x128xi32, #tpu.memory_space<vmem>>) target_semaphore(%run_scoped3A_14 : memref<!tpu.dma_semaphore, #tpu.memory_space<semaphore_mem>>)
      %dma_wait3A = arith.constant 0 : i32
      %dma_wait3A_26 = arith.constant 0 : i32
      %dma_wait3A_27 = tpu.memref_slice %arg2[%run_scoped3A, %dma_wait3A, %dma_wait3A_26] : memref<2x2560x128xi32, #tpu.memory_space<hbm>> -> memref<1x2560x128xi32, #tpu.memory_space<hbm>>
      %dma_wait3A_28 = tpu.memref_squeeze %dma_wait3A_27 : memref<1x2560x128xi32, #tpu.memory_space<hbm>> -> memref<2560x128xi32, #tpu.memory_space<hbm>>
      %dma_wait3A_29 = arith.constant 0 : i32
      %dma_wait3A_30 = tpu.memref_slice %dma_wait3A_28[%mul3A_4, %dma_wait3A_29] : memref<2560x128xi32, #tpu.memory_space<hbm>> -> memref<80x128xi32, #tpu.memory_space<hbm>>
      %dma_wait3A_31 = arith.constant 0 : i32
      %dma_wait3A_32 = arith.constant 0 : i32
      %dma_wait3A_33 = tpu.memref_slice %arg2[%run_scoped3A, %dma_wait3A_31, %dma_wait3A_32] : memref<2x2560x128xi32, #tpu.memory_space<hbm>> -> memref<1x2560x128xi32, #tpu.memory_space<hbm>>
      %dma_wait3A_34 = tpu.memref_squeeze %dma_wait3A_33 : memref<1x2560x128xi32, #tpu.memory_space<hbm>> -> memref<2560x128xi32, #tpu.memory_space<hbm>>
      %dma_wait3A_35 = arith.constant 0 : i32
      %dma_wait3A_36 = tpu.memref_slice %dma_wait3A_34[%mul3A_4, %dma_wait3A_35] : memref<2560x128xi32, #tpu.memory_space<hbm>> -> memref<80x128xi32, #tpu.memory_space<hbm>>
      tpu.wait_dma2 semaphore(%run_scoped3A_14 : memref<!tpu.dma_semaphore, #tpu.memory_space<semaphore_mem>>) src(%dma_wait3A_36 : memref<80x128xi32, #tpu.memory_space<hbm>>) dst(%arg6 : memref<80x128xi32, #tpu.memory_space<vmem>>)
      tpu.yield
    }) : () -> ()
    %barrier3A = arith.constant 0 : index
    tpu.barrier barrier_id(%barrier3A)
    %scan3A = arith.constant 0 : i32
    %scan3A_5 = arith.constant 80 : i32
    %scan3A_6 = arith.addi %scan3A, %scan3A_5 : i32
    %scan3A_7 = arith.constant 1 : i32
    scf.for %scan3A_14 = %scan3A to %scan3A_6 step %scan3A_7  : i32 {
      %mul3A_15 = arith.constant 1 : i32
      %mul3A_16 = arith.muli %scan3A_14, %mul3A_15 : i32
      %add3A_17 = arith.constant 0 : i32
      %add3A_18 = arith.addi %add3A_17, %mul3A_16 : i32
      "tpu.region"() ({
        %run_scoped3A_19 = tpu.sem_alloc : memref<!tpu.dma_semaphore, #tpu.memory_space<semaphore_mem>>
        %dma_start3A = arith.constant 0 : i32
        %dma_start3A_20 = tpu.memref_slice %arg6[%add3A_18, %dma_start3A] : memref<80x128xi32, #tpu.memory_space<vmem>> -> memref<1x128xi32, #tpu.memory_space<vmem>>
        %dma_start3A_21 = tpu.memref_squeeze %dma_start3A_20 : memref<1x128xi32, #tpu.memory_space<vmem>> -> memref<128xi32, #tpu.memory_space<vmem>>
        %dma_start3A_22 = arith.constant 0 : i32
        %dma_start3A_23 = tpu.memref_slice %arg8[%dma_start3A_22] : memref<10240xf32, #tpu.memory_space<vmem_shared>> -> memref<10240xf32, #tpu.memory_space<vmem_shared>>
        tpu.enqueue_indirect_dma source(%arg7 : memref<128xf32, #tpu.memory_space<vmem>>) target(%dma_start3A_23 : memref<10240xf32, #tpu.memory_space<vmem_shared>>) offsets(%dma_start3A_21 : memref<128xi32, #tpu.memory_space<vmem>>) semaphore(%run_scoped3A_19 : memref<!tpu.dma_semaphore, #tpu.memory_space<semaphore_mem>>) {add = true}
        %dma_wait3A = arith.constant 0 : i32
        %dma_wait3A_24 = tpu.memref_slice %arg6[%add3A_18, %dma_wait3A] : memref<80x128xi32, #tpu.memory_space<vmem>> -> memref<1x128xi32, #tpu.memory_space<vmem>>
        %dma_wait3A_25 = tpu.memref_squeeze %dma_wait3A_24 : memref<1x128xi32, #tpu.memory_space<vmem>> -> memref<128xi32, #tpu.memory_space<vmem>>
        %dma_wait3A_26 = arith.constant 0 : i32
        %dma_wait3A_27 = tpu.memref_slice %arg8[%dma_wait3A_26] : memref<10240xf32, #tpu.memory_space<vmem_shared>> -> memref<10240xf32, #tpu.memory_space<vmem_shared>>
        tpu.wait_indirect_dma semaphore(%run_scoped3A_19 : memref<!tpu.dma_semaphore, #tpu.memory_space<semaphore_mem>>) src(%arg7 : memref<128xf32, #tpu.memory_space<vmem>>) dst(%dma_wait3A_27 : memref<10240xf32, #tpu.memory_space<vmem_shared>>)
        tpu.yield
      }) : () -> ()
    }
    %scan3A_8 = arith.constant 80 : i32
    %barrier3A_9 = arith.constant 0 : index
    tpu.barrier barrier_id(%barrier3A_9)
    %mul3A_10 = arith.constant 640 : i32
    %mul3A_11 = arith.muli %arg1, %mul3A_10 : i32
    %mul3A_12 = arith.constant 640 : i32
    %mul3A_13 = arith.muli %arg1, %mul3A_12 : i32
    "tpu.region"() ({
      %run_scoped3A_14 = tpu.sem_alloc : memref<!tpu.dma_semaphore, #tpu.memory_space<semaphore_mem>>
      %dma_start3A = arith.constant 0 : i32
      %dma_start3A_15 = tpu.memref_slice %arg5[%arg0, %dma_start3A] : memref<2x10240xf32, #tpu.memory_space<hbm>> -> memref<1x10240xf32, #tpu.memory_space<hbm>>
      %dma_start3A_16 = tpu.memref_squeeze %dma_start3A_15 : memref<1x10240xf32, #tpu.memory_space<hbm>> -> memref<10240xf32, #tpu.memory_space<hbm>>
      %dma_start3A_17 = tpu.memref_slice %dma_start3A_16[%mul3A_13] : memref<10240xf32, #tpu.memory_space<hbm>> -> memref<640xf32, #tpu.memory_space<hbm>>
      %dma_start3A_18 = tpu.memref_slice %arg8[%mul3A_11] : memref<10240xf32, #tpu.memory_space<vmem_shared>> -> memref<640xf32, #tpu.memory_space<vmem_shared>>
      tpu.enqueue_dma source(%dma_start3A_18 : memref<640xf32, #tpu.memory_space<vmem_shared>>) target(%dma_start3A_17 : memref<640xf32, #tpu.memory_space<hbm>>) target_semaphore(%run_scoped3A_14 : memref<!tpu.dma_semaphore, #tpu.memory_space<semaphore_mem>>)
      %dma_wait3A = arith.constant 0 : i32
      %dma_wait3A_19 = tpu.memref_slice %arg5[%arg0, %dma_wait3A] : memref<2x10240xf32, #tpu.memory_space<hbm>> -> memref<1x10240xf32, #tpu.memory_space<hbm>>
      %dma_wait3A_20 = tpu.memref_squeeze %dma_wait3A_19 : memref<1x10240xf32, #tpu.memory_space<hbm>> -> memref<10240xf32, #tpu.memory_space<hbm>>
      %dma_wait3A_21 = tpu.memref_slice %dma_wait3A_20[%mul3A_13] : memref<10240xf32, #tpu.memory_space<hbm>> -> memref<640xf32, #tpu.memory_space<hbm>>
      %dma_wait3A_22 = tpu.memref_slice %arg8[%mul3A_11] : memref<10240xf32, #tpu.memory_space<vmem_shared>> -> memref<640xf32, #tpu.memory_space<vmem_shared>>
      tpu.wait_dma2 semaphore(%run_scoped3A_14 : memref<!tpu.dma_semaphore, #tpu.memory_space<semaphore_mem>>) src(%dma_wait3A_22 : memref<640xf32, #tpu.memory_space<vmem_shared>>) dst(%dma_wait3A_21 : memref<640xf32, #tpu.memory_space<hbm>>)
      tpu.yield
    }) : () -> ()
    return
  }
}

#map = affine_map<(d0, d1) -> (0, 0)>
#map1 = affine_map<(d0, d1) -> (0, 0, 0)>
module attributes {stable_mosaic.version = 14 : i64} {
  func.func @_sc_aggregate(%arg0: i32, %arg1: i32, %arg2: memref<10240x16xf32, #tpu.memory_space<hbm>>, %arg3: memref<2x2560x128xi32, #tpu.memory_space<hbm>>, %arg4: memref<640x16xf32, #tpu.memory_space<hbm>>, %arg5: memref<2x10240x16xf32, #tpu.memory_space<hbm>>, %arg6: memref<80x128xi32, #tpu.memory_space<vmem>>, %arg7: memref<80x128xi32, #tpu.memory_space<vmem>>, %arg8: memref<128x16xf32, #tpu.memory_space<vmem>>, %arg9: memref<128x16xf32, #tpu.memory_space<vmem>>, %arg10: memref<128x16xf32, #tpu.memory_space<vmem>>, %arg11: memref<128x16xf32, #tpu.memory_space<vmem>>, %arg12: memref<10240x16xf32, #tpu.memory_space<vmem_shared>>, %arg13: memref<10240x16xf32, #tpu.memory_space<vmem_shared>>, %arg14: memref<!tpu.dma_semaphore, #tpu.memory_space<semaphore_mem>>, %arg15: memref<!tpu.dma_semaphore, #tpu.memory_space<semaphore_mem>>, %arg16: memref<!tpu.dma_semaphore, #tpu.memory_space<semaphore_mem>>) attributes {dimension_semantics = [#tpu.dimension_semantics<core_parallel>, #tpu.dimension_semantics<subcore_parallel>], iteration_bounds = array<i64: 2, 16>, scalar_prefetch = 0 : i64, scratch_operands = 11 : i64, tpu.core_type = #tpu.core_type<sc_vector_subcore>, window_params = [{transform_indices = #map}, {transform_indices = #map1}, {transform_indices = #map}, {transform_indices = #map1}]} {
    %mul3A = arith.constant 16 : i32
    %mul3A_0 = arith.muli %arg0, %mul3A : i32
    %add3A = arith.addi %mul3A_0, %arg1 : i32
    %mul3A_1 = arith.constant 640 : i32
    %mul3A_2 = arith.muli %arg1, %mul3A_1 : i32
    %mul3A_3 = arith.constant 640 : i32
    %mul3A_4 = arith.muli %arg1, %mul3A_3 : i32
    %mul3A_5 = arith.constant 640 : i32
    %mul3A_6 = arith.muli %arg1, %mul3A_5 : i32
    %mul3A_7 = arith.constant 80 : i32
    %mul3A_8 = arith.muli %add3A, %mul3A_7 : i32
    %mul3A_9 = arith.constant 80 : i32
    %mul3A_10 = arith.muli %add3A, %mul3A_9 : i32
    %dma_start3A = arith.constant 0 : i32
    %dma_start3A_11 = tpu.memref_slice %arg12[%mul3A_4, %dma_start3A] : memref<10240x16xf32, #tpu.memory_space<vmem_shared>> -> memref<640x16xf32, #tpu.memory_space<vmem_shared>>
    %dma_start3A_12 = arith.constant 0 : i32
    %dma_start3A_13 = tpu.memref_slice %arg2[%mul3A_2, %dma_start3A_12] : memref<10240x16xf32, #tpu.memory_space<hbm>> -> memref<640x16xf32, #tpu.memory_space<hbm>>
    tpu.enqueue_dma source(%dma_start3A_13 : memref<640x16xf32, #tpu.memory_space<hbm>>) target(%dma_start3A_11 : memref<640x16xf32, #tpu.memory_space<vmem_shared>>) target_semaphore(%arg14 : memref<!tpu.dma_semaphore, #tpu.memory_space<semaphore_mem>>)
    %dma_start3A_14 = arith.constant 0 : i32
    %dma_start3A_15 = tpu.memref_slice %arg13[%mul3A_6, %dma_start3A_14] : memref<10240x16xf32, #tpu.memory_space<vmem_shared>> -> memref<640x16xf32, #tpu.memory_space<vmem_shared>>
    tpu.enqueue_dma source(%arg4 : memref<640x16xf32, #tpu.memory_space<hbm>>) target(%dma_start3A_15 : memref<640x16xf32, #tpu.memory_space<vmem_shared>>) target_semaphore(%arg14 : memref<!tpu.dma_semaphore, #tpu.memory_space<semaphore_mem>>)
    %dma_start3A_16 = arith.constant 0 : i32
    %dma_start3A_17 = arith.constant 0 : i32
    %dma_start3A_18 = arith.constant 0 : i32
    %dma_start3A_19 = tpu.memref_slice %arg3[%dma_start3A_16, %dma_start3A_17, %dma_start3A_18] : memref<2x2560x128xi32, #tpu.memory_space<hbm>> -> memref<1x2560x128xi32, #tpu.memory_space<hbm>>
    %dma_start3A_20 = tpu.memref_squeeze %dma_start3A_19 : memref<1x2560x128xi32, #tpu.memory_space<hbm>> -> memref<2560x128xi32, #tpu.memory_space<hbm>>
    %dma_start3A_21 = arith.constant 0 : i32
    %dma_start3A_22 = tpu.memref_slice %dma_start3A_20[%mul3A_8, %dma_start3A_21] : memref<2560x128xi32, #tpu.memory_space<hbm>> -> memref<80x128xi32, #tpu.memory_space<hbm>>
    %dma_start3A_23 = arith.constant 0 : i32
    %dma_start3A_24 = arith.constant 0 : i32
    %dma_start3A_25 = tpu.memref_slice %arg3[%dma_start3A_16, %dma_start3A_23, %dma_start3A_24] : memref<2x2560x128xi32, #tpu.memory_space<hbm>> -> memref<1x2560x128xi32, #tpu.memory_space<hbm>>
    %dma_start3A_26 = tpu.memref_squeeze %dma_start3A_25 : memref<1x2560x128xi32, #tpu.memory_space<hbm>> -> memref<2560x128xi32, #tpu.memory_space<hbm>>
    %dma_start3A_27 = arith.constant 0 : i32
    %dma_start3A_28 = tpu.memref_slice %dma_start3A_26[%mul3A_8, %dma_start3A_27] : memref<2560x128xi32, #tpu.memory_space<hbm>> -> memref<80x128xi32, #tpu.memory_space<hbm>>
    tpu.enqueue_dma source(%dma_start3A_28 : memref<80x128xi32, #tpu.memory_space<hbm>>) target(%arg6 : memref<80x128xi32, #tpu.memory_space<vmem>>) target_semaphore(%arg14 : memref<!tpu.dma_semaphore, #tpu.memory_space<semaphore_mem>>)
    %dma_start3A_29 = arith.constant 1 : i32
    %dma_start3A_30 = arith.constant 0 : i32
    %dma_start3A_31 = arith.constant 0 : i32
    %dma_start3A_32 = tpu.memref_slice %arg3[%dma_start3A_29, %dma_start3A_30, %dma_start3A_31] : memref<2x2560x128xi32, #tpu.memory_space<hbm>> -> memref<1x2560x128xi32, #tpu.memory_space<hbm>>
    %dma_start3A_33 = tpu.memref_squeeze %dma_start3A_32 : memref<1x2560x128xi32, #tpu.memory_space<hbm>> -> memref<2560x128xi32, #tpu.memory_space<hbm>>
    %dma_start3A_34 = arith.constant 0 : i32
    %dma_start3A_35 = tpu.memref_slice %dma_start3A_33[%mul3A_10, %dma_start3A_34] : memref<2560x128xi32, #tpu.memory_space<hbm>> -> memref<80x128xi32, #tpu.memory_space<hbm>>
    %dma_start3A_36 = arith.constant 0 : i32
    %dma_start3A_37 = arith.constant 0 : i32
    %dma_start3A_38 = tpu.memref_slice %arg3[%dma_start3A_29, %dma_start3A_36, %dma_start3A_37] : memref<2x2560x128xi32, #tpu.memory_space<hbm>> -> memref<1x2560x128xi32, #tpu.memory_space<hbm>>
    %dma_start3A_39 = tpu.memref_squeeze %dma_start3A_38 : memref<1x2560x128xi32, #tpu.memory_space<hbm>> -> memref<2560x128xi32, #tpu.memory_space<hbm>>
    %dma_start3A_40 = arith.constant 0 : i32
    %dma_start3A_41 = tpu.memref_slice %dma_start3A_39[%mul3A_10, %dma_start3A_40] : memref<2560x128xi32, #tpu.memory_space<hbm>> -> memref<80x128xi32, #tpu.memory_space<hbm>>
    tpu.enqueue_dma source(%dma_start3A_41 : memref<80x128xi32, #tpu.memory_space<hbm>>) target(%arg7 : memref<80x128xi32, #tpu.memory_space<vmem>>) target_semaphore(%arg14 : memref<!tpu.dma_semaphore, #tpu.memory_space<semaphore_mem>>)
    %dma_wait3A = arith.constant 0 : i32
    %dma_wait3A_42 = tpu.memref_slice %arg12[%mul3A_4, %dma_wait3A] : memref<10240x16xf32, #tpu.memory_space<vmem_shared>> -> memref<640x16xf32, #tpu.memory_space<vmem_shared>>
    %dma_wait3A_43 = arith.constant 0 : i32
    %dma_wait3A_44 = tpu.memref_slice %arg2[%mul3A_2, %dma_wait3A_43] : memref<10240x16xf32, #tpu.memory_space<hbm>> -> memref<640x16xf32, #tpu.memory_space<hbm>>
    tpu.wait_dma2 semaphore(%arg14 : memref<!tpu.dma_semaphore, #tpu.memory_space<semaphore_mem>>) src(%dma_wait3A_44 : memref<640x16xf32, #tpu.memory_space<hbm>>) dst(%dma_wait3A_42 : memref<640x16xf32, #tpu.memory_space<vmem_shared>>)
    %dma_wait3A_45 = arith.constant 0 : i32
    %dma_wait3A_46 = tpu.memref_slice %arg13[%mul3A_6, %dma_wait3A_45] : memref<10240x16xf32, #tpu.memory_space<vmem_shared>> -> memref<640x16xf32, #tpu.memory_space<vmem_shared>>
    tpu.wait_dma2 semaphore(%arg14 : memref<!tpu.dma_semaphore, #tpu.memory_space<semaphore_mem>>) src(%arg4 : memref<640x16xf32, #tpu.memory_space<hbm>>) dst(%dma_wait3A_46 : memref<640x16xf32, #tpu.memory_space<vmem_shared>>)
    %dma_wait3A_47 = arith.constant 0 : i32
    %dma_wait3A_48 = arith.constant 0 : i32
    %dma_wait3A_49 = arith.constant 0 : i32
    %dma_wait3A_50 = tpu.memref_slice %arg3[%dma_wait3A_47, %dma_wait3A_48, %dma_wait3A_49] : memref<2x2560x128xi32, #tpu.memory_space<hbm>> -> memref<1x2560x128xi32, #tpu.memory_space<hbm>>
    %dma_wait3A_51 = tpu.memref_squeeze %dma_wait3A_50 : memref<1x2560x128xi32, #tpu.memory_space<hbm>> -> memref<2560x128xi32, #tpu.memory_space<hbm>>
    %dma_wait3A_52 = arith.constant 0 : i32
    %dma_wait3A_53 = tpu.memref_slice %dma_wait3A_51[%mul3A_8, %dma_wait3A_52] : memref<2560x128xi32, #tpu.memory_space<hbm>> -> memref<80x128xi32, #tpu.memory_space<hbm>>
    %dma_wait3A_54 = arith.constant 0 : i32
    %dma_wait3A_55 = arith.constant 0 : i32
    %dma_wait3A_56 = tpu.memref_slice %arg3[%dma_wait3A_47, %dma_wait3A_54, %dma_wait3A_55] : memref<2x2560x128xi32, #tpu.memory_space<hbm>> -> memref<1x2560x128xi32, #tpu.memory_space<hbm>>
    %dma_wait3A_57 = tpu.memref_squeeze %dma_wait3A_56 : memref<1x2560x128xi32, #tpu.memory_space<hbm>> -> memref<2560x128xi32, #tpu.memory_space<hbm>>
    %dma_wait3A_58 = arith.constant 0 : i32
    %dma_wait3A_59 = tpu.memref_slice %dma_wait3A_57[%mul3A_8, %dma_wait3A_58] : memref<2560x128xi32, #tpu.memory_space<hbm>> -> memref<80x128xi32, #tpu.memory_space<hbm>>
    tpu.wait_dma2 semaphore(%arg14 : memref<!tpu.dma_semaphore, #tpu.memory_space<semaphore_mem>>) src(%dma_wait3A_59 : memref<80x128xi32, #tpu.memory_space<hbm>>) dst(%arg6 : memref<80x128xi32, #tpu.memory_space<vmem>>)
    %dma_wait3A_60 = arith.constant 1 : i32
    %dma_wait3A_61 = arith.constant 0 : i32
    %dma_wait3A_62 = arith.constant 0 : i32
    %dma_wait3A_63 = tpu.memref_slice %arg3[%dma_wait3A_60, %dma_wait3A_61, %dma_wait3A_62] : memref<2x2560x128xi32, #tpu.memory_space<hbm>> -> memref<1x2560x128xi32, #tpu.memory_space<hbm>>
    %dma_wait3A_64 = tpu.memref_squeeze %dma_wait3A_63 : memref<1x2560x128xi32, #tpu.memory_space<hbm>> -> memref<2560x128xi32, #tpu.memory_space<hbm>>
    %dma_wait3A_65 = arith.constant 0 : i32
    %dma_wait3A_66 = tpu.memref_slice %dma_wait3A_64[%mul3A_10, %dma_wait3A_65] : memref<2560x128xi32, #tpu.memory_space<hbm>> -> memref<80x128xi32, #tpu.memory_space<hbm>>
    %dma_wait3A_67 = arith.constant 0 : i32
    %dma_wait3A_68 = arith.constant 0 : i32
    %dma_wait3A_69 = tpu.memref_slice %arg3[%dma_wait3A_60, %dma_wait3A_67, %dma_wait3A_68] : memref<2x2560x128xi32, #tpu.memory_space<hbm>> -> memref<1x2560x128xi32, #tpu.memory_space<hbm>>
    %dma_wait3A_70 = tpu.memref_squeeze %dma_wait3A_69 : memref<1x2560x128xi32, #tpu.memory_space<hbm>> -> memref<2560x128xi32, #tpu.memory_space<hbm>>
    %dma_wait3A_71 = arith.constant 0 : i32
    %dma_wait3A_72 = tpu.memref_slice %dma_wait3A_70[%mul3A_10, %dma_wait3A_71] : memref<2560x128xi32, #tpu.memory_space<hbm>> -> memref<80x128xi32, #tpu.memory_space<hbm>>
    tpu.wait_dma2 semaphore(%arg14 : memref<!tpu.dma_semaphore, #tpu.memory_space<semaphore_mem>>) src(%dma_wait3A_72 : memref<80x128xi32, #tpu.memory_space<hbm>>) dst(%arg7 : memref<80x128xi32, #tpu.memory_space<vmem>>)
    %barrier3A = arith.constant 0 : index
    tpu.barrier barrier_id(%barrier3A)
    %dma_start3A_73 = arith.constant 0 : i32
    %dma_start3A_74 = arith.constant 0 : i32
    %dma_start3A_75 = tpu.memref_slice %arg6[%dma_start3A_73, %dma_start3A_74] : memref<80x128xi32, #tpu.memory_space<vmem>> -> memref<1x128xi32, #tpu.memory_space<vmem>>
    %dma_start3A_76 = tpu.memref_squeeze %dma_start3A_75 : memref<1x128xi32, #tpu.memory_space<vmem>> -> memref<128xi32, #tpu.memory_space<vmem>>
    %dma_start3A_77 = arith.constant 0 : i32
    %dma_start3A_78 = arith.constant 0 : i32
    %dma_start3A_79 = tpu.memref_slice %arg12[%dma_start3A_77, %dma_start3A_78] : memref<10240x16xf32, #tpu.memory_space<vmem_shared>> -> memref<10240x16xf32, #tpu.memory_space<vmem_shared>>
    tpu.enqueue_indirect_dma source(%dma_start3A_79 : memref<10240x16xf32, #tpu.memory_space<vmem_shared>>) target(%arg8 : memref<128x16xf32, #tpu.memory_space<vmem>>) offsets(%dma_start3A_76 : memref<128xi32, #tpu.memory_space<vmem>>) semaphore(%arg15 : memref<!tpu.dma_semaphore, #tpu.memory_space<semaphore_mem>>)
    %dma_start3A_80 = arith.constant 1 : i32
    %dma_start3A_81 = arith.constant 0 : i32
    %dma_start3A_82 = tpu.memref_slice %arg6[%dma_start3A_80, %dma_start3A_81] : memref<80x128xi32, #tpu.memory_space<vmem>> -> memref<1x128xi32, #tpu.memory_space<vmem>>
    %dma_start3A_83 = tpu.memref_squeeze %dma_start3A_82 : memref<1x128xi32, #tpu.memory_space<vmem>> -> memref<128xi32, #tpu.memory_space<vmem>>
    %dma_start3A_84 = arith.constant 0 : i32
    %dma_start3A_85 = arith.constant 0 : i32
    %dma_start3A_86 = tpu.memref_slice %arg12[%dma_start3A_84, %dma_start3A_85] : memref<10240x16xf32, #tpu.memory_space<vmem_shared>> -> memref<10240x16xf32, #tpu.memory_space<vmem_shared>>
    tpu.enqueue_indirect_dma source(%dma_start3A_86 : memref<10240x16xf32, #tpu.memory_space<vmem_shared>>) target(%arg9 : memref<128x16xf32, #tpu.memory_space<vmem>>) offsets(%dma_start3A_83 : memref<128xi32, #tpu.memory_space<vmem>>) semaphore(%arg15 : memref<!tpu.dma_semaphore, #tpu.memory_space<semaphore_mem>>)
    %dma_start3A_87 = arith.constant 2 : i32
    %dma_start3A_88 = arith.constant 0 : i32
    %dma_start3A_89 = tpu.memref_slice %arg6[%dma_start3A_87, %dma_start3A_88] : memref<80x128xi32, #tpu.memory_space<vmem>> -> memref<1x128xi32, #tpu.memory_space<vmem>>
    %dma_start3A_90 = tpu.memref_squeeze %dma_start3A_89 : memref<1x128xi32, #tpu.memory_space<vmem>> -> memref<128xi32, #tpu.memory_space<vmem>>
    %dma_start3A_91 = arith.constant 0 : i32
    %dma_start3A_92 = arith.constant 0 : i32
    %dma_start3A_93 = tpu.memref_slice %arg12[%dma_start3A_91, %dma_start3A_92] : memref<10240x16xf32, #tpu.memory_space<vmem_shared>> -> memref<10240x16xf32, #tpu.memory_space<vmem_shared>>
    tpu.enqueue_indirect_dma source(%dma_start3A_93 : memref<10240x16xf32, #tpu.memory_space<vmem_shared>>) target(%arg10 : memref<128x16xf32, #tpu.memory_space<vmem>>) offsets(%dma_start3A_90 : memref<128xi32, #tpu.memory_space<vmem>>) semaphore(%arg15 : memref<!tpu.dma_semaphore, #tpu.memory_space<semaphore_mem>>)
    %dma_start3A_94 = arith.constant 3 : i32
    %dma_start3A_95 = arith.constant 0 : i32
    %dma_start3A_96 = tpu.memref_slice %arg6[%dma_start3A_94, %dma_start3A_95] : memref<80x128xi32, #tpu.memory_space<vmem>> -> memref<1x128xi32, #tpu.memory_space<vmem>>
    %dma_start3A_97 = tpu.memref_squeeze %dma_start3A_96 : memref<1x128xi32, #tpu.memory_space<vmem>> -> memref<128xi32, #tpu.memory_space<vmem>>
    %dma_start3A_98 = arith.constant 0 : i32
    %dma_start3A_99 = arith.constant 0 : i32
    %dma_start3A_100 = tpu.memref_slice %arg12[%dma_start3A_98, %dma_start3A_99] : memref<10240x16xf32, #tpu.memory_space<vmem_shared>> -> memref<10240x16xf32, #tpu.memory_space<vmem_shared>>
    tpu.enqueue_indirect_dma source(%dma_start3A_100 : memref<10240x16xf32, #tpu.memory_space<vmem_shared>>) target(%arg11 : memref<128x16xf32, #tpu.memory_space<vmem>>) offsets(%dma_start3A_97 : memref<128xi32, #tpu.memory_space<vmem>>) semaphore(%arg15 : memref<!tpu.dma_semaphore, #tpu.memory_space<semaphore_mem>>)
    %scan3A = arith.constant 0 : i32
    %scan3A_101 = arith.constant 20 : i32
    %scan3A_102 = arith.addi %scan3A, %scan3A_101 : i32
    %scan3A_103 = arith.constant 1 : i32
    scf.for %scan3A_110 = %scan3A to %scan3A_102 step %scan3A_103  : i32 {
      %mul3A_111 = arith.constant 4 : i32
      %mul3A_112 = arith.muli %scan3A_110, %mul3A_111 : i32
      %add3A_113 = arith.constant 0 : i32
      %add3A_114 = arith.addi %add3A_113, %mul3A_112 : i32
      %add3A_115 = arith.constant 0 : i32
      %add3A_116 = arith.addi %add3A_114, %add3A_115 : i32
      %dma_wait3A_117 = arith.constant 0 : i32
      %dma_wait3A_118 = tpu.memref_slice %arg6[%add3A_116, %dma_wait3A_117] : memref<80x128xi32, #tpu.memory_space<vmem>> -> memref<1x128xi32, #tpu.memory_space<vmem>>
      %dma_wait3A_119 = tpu.memref_squeeze %dma_wait3A_118 : memref<1x128xi32, #tpu.memory_space<vmem>> -> memref<128xi32, #tpu.memory_space<vmem>>
      %dma_wait3A_120 = arith.constant 0 : i32
      %dma_wait3A_121 = arith.constant 0 : i32
      %dma_wait3A_122 = tpu.memref_slice %arg12[%dma_wait3A_120, %dma_wait3A_121] : memref<10240x16xf32, #tpu.memory_space<vmem_shared>> -> memref<10240x16xf32, #tpu.memory_space<vmem_shared>>
      tpu.wait_indirect_dma semaphore(%arg15 : memref<!tpu.dma_semaphore, #tpu.memory_space<semaphore_mem>>) src(%dma_wait3A_122 : memref<10240x16xf32, #tpu.memory_space<vmem_shared>>) dst(%arg8 : memref<128x16xf32, #tpu.memory_space<vmem>>)
      %add3A_123 = arith.constant 0 : i32
      %add3A_124 = arith.addi %add3A_114, %add3A_123 : i32
      %dma_start3A_125 = arith.constant 0 : i32
      %dma_start3A_126 = tpu.memref_slice %arg7[%add3A_124, %dma_start3A_125] : memref<80x128xi32, #tpu.memory_space<vmem>> -> memref<1x128xi32, #tpu.memory_space<vmem>>
      %dma_start3A_127 = tpu.memref_squeeze %dma_start3A_126 : memref<1x128xi32, #tpu.memory_space<vmem>> -> memref<128xi32, #tpu.memory_space<vmem>>
      %dma_start3A_128 = arith.constant 0 : i32
      %dma_start3A_129 = arith.constant 0 : i32
      %dma_start3A_130 = tpu.memref_slice %arg13[%dma_start3A_128, %dma_start3A_129] : memref<10240x16xf32, #tpu.memory_space<vmem_shared>> -> memref<10240x16xf32, #tpu.memory_space<vmem_shared>>
      tpu.enqueue_indirect_dma source(%arg8 : memref<128x16xf32, #tpu.memory_space<vmem>>) target(%dma_start3A_130 : memref<10240x16xf32, #tpu.memory_space<vmem_shared>>) offsets(%dma_start3A_127 : memref<128xi32, #tpu.memory_space<vmem>>) semaphore(%arg16 : memref<!tpu.dma_semaphore, #tpu.memory_space<semaphore_mem>>) {add = true}
      %add3A_131 = arith.constant 1 : i32
      %add3A_132 = arith.addi %add3A_114, %add3A_131 : i32
      %dma_wait3A_133 = arith.constant 0 : i32
      %dma_wait3A_134 = tpu.memref_slice %arg6[%add3A_132, %dma_wait3A_133] : memref<80x128xi32, #tpu.memory_space<vmem>> -> memref<1x128xi32, #tpu.memory_space<vmem>>
      %dma_wait3A_135 = tpu.memref_squeeze %dma_wait3A_134 : memref<1x128xi32, #tpu.memory_space<vmem>> -> memref<128xi32, #tpu.memory_space<vmem>>
      %dma_wait3A_136 = arith.constant 0 : i32
      %dma_wait3A_137 = arith.constant 0 : i32
      %dma_wait3A_138 = tpu.memref_slice %arg12[%dma_wait3A_136, %dma_wait3A_137] : memref<10240x16xf32, #tpu.memory_space<vmem_shared>> -> memref<10240x16xf32, #tpu.memory_space<vmem_shared>>
      tpu.wait_indirect_dma semaphore(%arg15 : memref<!tpu.dma_semaphore, #tpu.memory_space<semaphore_mem>>) src(%dma_wait3A_138 : memref<10240x16xf32, #tpu.memory_space<vmem_shared>>) dst(%arg9 : memref<128x16xf32, #tpu.memory_space<vmem>>)
      %add3A_139 = arith.constant 1 : i32
      %add3A_140 = arith.addi %add3A_114, %add3A_139 : i32
      %dma_start3A_141 = arith.constant 0 : i32
      %dma_start3A_142 = tpu.memref_slice %arg7[%add3A_140, %dma_start3A_141] : memref<80x128xi32, #tpu.memory_space<vmem>> -> memref<1x128xi32, #tpu.memory_space<vmem>>
      %dma_start3A_143 = tpu.memref_squeeze %dma_start3A_142 : memref<1x128xi32, #tpu.memory_space<vmem>> -> memref<128xi32, #tpu.memory_space<vmem>>
      %dma_start3A_144 = arith.constant 0 : i32
      %dma_start3A_145 = arith.constant 0 : i32
      %dma_start3A_146 = tpu.memref_slice %arg13[%dma_start3A_144, %dma_start3A_145] : memref<10240x16xf32, #tpu.memory_space<vmem_shared>> -> memref<10240x16xf32, #tpu.memory_space<vmem_shared>>
      tpu.enqueue_indirect_dma source(%arg9 : memref<128x16xf32, #tpu.memory_space<vmem>>) target(%dma_start3A_146 : memref<10240x16xf32, #tpu.memory_space<vmem_shared>>) offsets(%dma_start3A_143 : memref<128xi32, #tpu.memory_space<vmem>>) semaphore(%arg16 : memref<!tpu.dma_semaphore, #tpu.memory_space<semaphore_mem>>) {add = true}
      %add3A_147 = arith.constant 2 : i32
      %add3A_148 = arith.addi %add3A_114, %add3A_147 : i32
      %dma_wait3A_149 = arith.constant 0 : i32
      %dma_wait3A_150 = tpu.memref_slice %arg6[%add3A_148, %dma_wait3A_149] : memref<80x128xi32, #tpu.memory_space<vmem>> -> memref<1x128xi32, #tpu.memory_space<vmem>>
      %dma_wait3A_151 = tpu.memref_squeeze %dma_wait3A_150 : memref<1x128xi32, #tpu.memory_space<vmem>> -> memref<128xi32, #tpu.memory_space<vmem>>
      %dma_wait3A_152 = arith.constant 0 : i32
      %dma_wait3A_153 = arith.constant 0 : i32
      %dma_wait3A_154 = tpu.memref_slice %arg12[%dma_wait3A_152, %dma_wait3A_153] : memref<10240x16xf32, #tpu.memory_space<vmem_shared>> -> memref<10240x16xf32, #tpu.memory_space<vmem_shared>>
      tpu.wait_indirect_dma semaphore(%arg15 : memref<!tpu.dma_semaphore, #tpu.memory_space<semaphore_mem>>) src(%dma_wait3A_154 : memref<10240x16xf32, #tpu.memory_space<vmem_shared>>) dst(%arg10 : memref<128x16xf32, #tpu.memory_space<vmem>>)
      %add3A_155 = arith.constant 2 : i32
      %add3A_156 = arith.addi %add3A_114, %add3A_155 : i32
      %dma_start3A_157 = arith.constant 0 : i32
      %dma_start3A_158 = tpu.memref_slice %arg7[%add3A_156, %dma_start3A_157] : memref<80x128xi32, #tpu.memory_space<vmem>> -> memref<1x128xi32, #tpu.memory_space<vmem>>
      %dma_start3A_159 = tpu.memref_squeeze %dma_start3A_158 : memref<1x128xi32, #tpu.memory_space<vmem>> -> memref<128xi32, #tpu.memory_space<vmem>>
      %dma_start3A_160 = arith.constant 0 : i32
      %dma_start3A_161 = arith.constant 0 : i32
      %dma_start3A_162 = tpu.memref_slice %arg13[%dma_start3A_160, %dma_start3A_161] : memref<10240x16xf32, #tpu.memory_space<vmem_shared>> -> memref<10240x16xf32, #tpu.memory_space<vmem_shared>>
      tpu.enqueue_indirect_dma source(%arg10 : memref<128x16xf32, #tpu.memory_space<vmem>>) target(%dma_start3A_162 : memref<10240x16xf32, #tpu.memory_space<vmem_shared>>) offsets(%dma_start3A_159 : memref<128xi32, #tpu.memory_space<vmem>>) semaphore(%arg16 : memref<!tpu.dma_semaphore, #tpu.memory_space<semaphore_mem>>) {add = true}
      %add3A_163 = arith.constant 3 : i32
      %add3A_164 = arith.addi %add3A_114, %add3A_163 : i32
      %dma_wait3A_165 = arith.constant 0 : i32
      %dma_wait3A_166 = tpu.memref_slice %arg6[%add3A_164, %dma_wait3A_165] : memref<80x128xi32, #tpu.memory_space<vmem>> -> memref<1x128xi32, #tpu.memory_space<vmem>>
      %dma_wait3A_167 = tpu.memref_squeeze %dma_wait3A_166 : memref<1x128xi32, #tpu.memory_space<vmem>> -> memref<128xi32, #tpu.memory_space<vmem>>
      %dma_wait3A_168 = arith.constant 0 : i32
      %dma_wait3A_169 = arith.constant 0 : i32
      %dma_wait3A_170 = tpu.memref_slice %arg12[%dma_wait3A_168, %dma_wait3A_169] : memref<10240x16xf32, #tpu.memory_space<vmem_shared>> -> memref<10240x16xf32, #tpu.memory_space<vmem_shared>>
      tpu.wait_indirect_dma semaphore(%arg15 : memref<!tpu.dma_semaphore, #tpu.memory_space<semaphore_mem>>) src(%dma_wait3A_170 : memref<10240x16xf32, #tpu.memory_space<vmem_shared>>) dst(%arg11 : memref<128x16xf32, #tpu.memory_space<vmem>>)
      %add3A_171 = arith.constant 3 : i32
      %add3A_172 = arith.addi %add3A_114, %add3A_171 : i32
      %dma_start3A_173 = arith.constant 0 : i32
      %dma_start3A_174 = tpu.memref_slice %arg7[%add3A_172, %dma_start3A_173] : memref<80x128xi32, #tpu.memory_space<vmem>> -> memref<1x128xi32, #tpu.memory_space<vmem>>
      %dma_start3A_175 = tpu.memref_squeeze %dma_start3A_174 : memref<1x128xi32, #tpu.memory_space<vmem>> -> memref<128xi32, #tpu.memory_space<vmem>>
      %dma_start3A_176 = arith.constant 0 : i32
      %dma_start3A_177 = arith.constant 0 : i32
      %dma_start3A_178 = tpu.memref_slice %arg13[%dma_start3A_176, %dma_start3A_177] : memref<10240x16xf32, #tpu.memory_space<vmem_shared>> -> memref<10240x16xf32, #tpu.memory_space<vmem_shared>>
      tpu.enqueue_indirect_dma source(%arg11 : memref<128x16xf32, #tpu.memory_space<vmem>>) target(%dma_start3A_178 : memref<10240x16xf32, #tpu.memory_space<vmem_shared>>) offsets(%dma_start3A_175 : memref<128xi32, #tpu.memory_space<vmem>>) semaphore(%arg16 : memref<!tpu.dma_semaphore, #tpu.memory_space<semaphore_mem>>) {add = true}
      %add3A_179 = arith.constant 0 : i32
      %add3A_180 = arith.addi %add3A_114, %add3A_179 : i32
      %dma_wait3A_181 = arith.constant 0 : i32
      %dma_wait3A_182 = tpu.memref_slice %arg7[%add3A_180, %dma_wait3A_181] : memref<80x128xi32, #tpu.memory_space<vmem>> -> memref<1x128xi32, #tpu.memory_space<vmem>>
      %dma_wait3A_183 = tpu.memref_squeeze %dma_wait3A_182 : memref<1x128xi32, #tpu.memory_space<vmem>> -> memref<128xi32, #tpu.memory_space<vmem>>
      %dma_wait3A_184 = arith.constant 0 : i32
      %dma_wait3A_185 = arith.constant 0 : i32
      %dma_wait3A_186 = tpu.memref_slice %arg13[%dma_wait3A_184, %dma_wait3A_185] : memref<10240x16xf32, #tpu.memory_space<vmem_shared>> -> memref<10240x16xf32, #tpu.memory_space<vmem_shared>>
      tpu.wait_indirect_dma semaphore(%arg16 : memref<!tpu.dma_semaphore, #tpu.memory_space<semaphore_mem>>) src(%arg8 : memref<128x16xf32, #tpu.memory_space<vmem>>) dst(%dma_wait3A_186 : memref<10240x16xf32, #tpu.memory_space<vmem_shared>>)
      %add3A_187 = arith.constant 4 : i32
      %add3A_188 = arith.addi %add3A_114, %add3A_187 : i32
      %add3A_189 = arith.constant 0 : i32
      %add3A_190 = arith.addi %add3A_188, %add3A_189 : i32
      %lt3A = arith.constant 80 : i32
      %lt3A_191 = arith.cmpi slt, %add3A_190, %lt3A : i32
      %convert_element_type3A = arith.extui %lt3A_191 : i1 to i32
      %cond3A = arith.constant 0 : i32
      %cond3A_192 = arith.cmpi ne, %convert_element_type3A, %cond3A : i32
      scf.if %cond3A_192 {
        %add3A_244 = arith.constant 4 : i32
        %add3A_245 = arith.addi %add3A_114, %add3A_244 : i32
        %add3A_246 = arith.constant 0 : i32
        %add3A_247 = arith.addi %add3A_245, %add3A_246 : i32
        %dma_start3A_248 = arith.constant 0 : i32
        %dma_start3A_249 = tpu.memref_slice %arg6[%add3A_247, %dma_start3A_248] : memref<80x128xi32, #tpu.memory_space<vmem>> -> memref<1x128xi32, #tpu.memory_space<vmem>>
        %dma_start3A_250 = tpu.memref_squeeze %dma_start3A_249 : memref<1x128xi32, #tpu.memory_space<vmem>> -> memref<128xi32, #tpu.memory_space<vmem>>
        %dma_start3A_251 = arith.constant 0 : i32
        %dma_start3A_252 = arith.constant 0 : i32
        %dma_start3A_253 = tpu.memref_slice %arg12[%dma_start3A_251, %dma_start3A_252] : memref<10240x16xf32, #tpu.memory_space<vmem_shared>> -> memref<10240x16xf32, #tpu.memory_space<vmem_shared>>
        tpu.enqueue_indirect_dma source(%dma_start3A_253 : memref<10240x16xf32, #tpu.memory_space<vmem_shared>>) target(%arg8 : memref<128x16xf32, #tpu.memory_space<vmem>>) offsets(%dma_start3A_250 : memref<128xi32, #tpu.memory_space<vmem>>) semaphore(%arg15 : memref<!tpu.dma_semaphore, #tpu.memory_space<semaphore_mem>>)
      } else {
      }
      %add3A_193 = arith.constant 1 : i32
      %add3A_194 = arith.addi %add3A_114, %add3A_193 : i32
      %dma_wait3A_195 = arith.constant 0 : i32
      %dma_wait3A_196 = tpu.memref_slice %arg7[%add3A_194, %dma_wait3A_195] : memref<80x128xi32, #tpu.memory_space<vmem>> -> memref<1x128xi32, #tpu.memory_space<vmem>>
      %dma_wait3A_197 = tpu.memref_squeeze %dma_wait3A_196 : memref<1x128xi32, #tpu.memory_space<vmem>> -> memref<128xi32, #tpu.memory_space<vmem>>
      %dma_wait3A_198 = arith.constant 0 : i32
      %dma_wait3A_199 = arith.constant 0 : i32
      %dma_wait3A_200 = tpu.memref_slice %arg13[%dma_wait3A_198, %dma_wait3A_199] : memref<10240x16xf32, #tpu.memory_space<vmem_shared>> -> memref<10240x16xf32, #tpu.memory_space<vmem_shared>>
      tpu.wait_indirect_dma semaphore(%arg16 : memref<!tpu.dma_semaphore, #tpu.memory_space<semaphore_mem>>) src(%arg9 : memref<128x16xf32, #tpu.memory_space<vmem>>) dst(%dma_wait3A_200 : memref<10240x16xf32, #tpu.memory_space<vmem_shared>>)
      %add3A_201 = arith.constant 4 : i32
      %add3A_202 = arith.addi %add3A_114, %add3A_201 : i32
      %add3A_203 = arith.constant 1 : i32
      %add3A_204 = arith.addi %add3A_202, %add3A_203 : i32
      %lt3A_205 = arith.constant 80 : i32
      %lt3A_206 = arith.cmpi slt, %add3A_204, %lt3A_205 : i32
      %convert_element_type3A_207 = arith.extui %lt3A_206 : i1 to i32
      %cond3A_208 = arith.constant 0 : i32
      %cond3A_209 = arith.cmpi ne, %convert_element_type3A_207, %cond3A_208 : i32
      scf.if %cond3A_209 {
        %add3A_244 = arith.constant 4 : i32
        %add3A_245 = arith.addi %add3A_114, %add3A_244 : i32
        %add3A_246 = arith.constant 1 : i32
        %add3A_247 = arith.addi %add3A_245, %add3A_246 : i32
        %dma_start3A_248 = arith.constant 0 : i32
        %dma_start3A_249 = tpu.memref_slice %arg6[%add3A_247, %dma_start3A_248] : memref<80x128xi32, #tpu.memory_space<vmem>> -> memref<1x128xi32, #tpu.memory_space<vmem>>
        %dma_start3A_250 = tpu.memref_squeeze %dma_start3A_249 : memref<1x128xi32, #tpu.memory_space<vmem>> -> memref<128xi32, #tpu.memory_space<vmem>>
        %dma_start3A_251 = arith.constant 0 : i32
        %dma_start3A_252 = arith.constant 0 : i32
        %dma_start3A_253 = tpu.memref_slice %arg12[%dma_start3A_251, %dma_start3A_252] : memref<10240x16xf32, #tpu.memory_space<vmem_shared>> -> memref<10240x16xf32, #tpu.memory_space<vmem_shared>>
        tpu.enqueue_indirect_dma source(%dma_start3A_253 : memref<10240x16xf32, #tpu.memory_space<vmem_shared>>) target(%arg9 : memref<128x16xf32, #tpu.memory_space<vmem>>) offsets(%dma_start3A_250 : memref<128xi32, #tpu.memory_space<vmem>>) semaphore(%arg15 : memref<!tpu.dma_semaphore, #tpu.memory_space<semaphore_mem>>)
      } else {
      }
      %add3A_210 = arith.constant 2 : i32
      %add3A_211 = arith.addi %add3A_114, %add3A_210 : i32
      %dma_wait3A_212 = arith.constant 0 : i32
      %dma_wait3A_213 = tpu.memref_slice %arg7[%add3A_211, %dma_wait3A_212] : memref<80x128xi32, #tpu.memory_space<vmem>> -> memref<1x128xi32, #tpu.memory_space<vmem>>
      %dma_wait3A_214 = tpu.memref_squeeze %dma_wait3A_213 : memref<1x128xi32, #tpu.memory_space<vmem>> -> memref<128xi32, #tpu.memory_space<vmem>>
      %dma_wait3A_215 = arith.constant 0 : i32
      %dma_wait3A_216 = arith.constant 0 : i32
      %dma_wait3A_217 = tpu.memref_slice %arg13[%dma_wait3A_215, %dma_wait3A_216] : memref<10240x16xf32, #tpu.memory_space<vmem_shared>> -> memref<10240x16xf32, #tpu.memory_space<vmem_shared>>
      tpu.wait_indirect_dma semaphore(%arg16 : memref<!tpu.dma_semaphore, #tpu.memory_space<semaphore_mem>>) src(%arg10 : memref<128x16xf32, #tpu.memory_space<vmem>>) dst(%dma_wait3A_217 : memref<10240x16xf32, #tpu.memory_space<vmem_shared>>)
      %add3A_218 = arith.constant 4 : i32
      %add3A_219 = arith.addi %add3A_114, %add3A_218 : i32
      %add3A_220 = arith.constant 2 : i32
      %add3A_221 = arith.addi %add3A_219, %add3A_220 : i32
      %lt3A_222 = arith.constant 80 : i32
      %lt3A_223 = arith.cmpi slt, %add3A_221, %lt3A_222 : i32
      %convert_element_type3A_224 = arith.extui %lt3A_223 : i1 to i32
      %cond3A_225 = arith.constant 0 : i32
      %cond3A_226 = arith.cmpi ne, %convert_element_type3A_224, %cond3A_225 : i32
      scf.if %cond3A_226 {
        %add3A_244 = arith.constant 4 : i32
        %add3A_245 = arith.addi %add3A_114, %add3A_244 : i32
        %add3A_246 = arith.constant 2 : i32
        %add3A_247 = arith.addi %add3A_245, %add3A_246 : i32
        %dma_start3A_248 = arith.constant 0 : i32
        %dma_start3A_249 = tpu.memref_slice %arg6[%add3A_247, %dma_start3A_248] : memref<80x128xi32, #tpu.memory_space<vmem>> -> memref<1x128xi32, #tpu.memory_space<vmem>>
        %dma_start3A_250 = tpu.memref_squeeze %dma_start3A_249 : memref<1x128xi32, #tpu.memory_space<vmem>> -> memref<128xi32, #tpu.memory_space<vmem>>
        %dma_start3A_251 = arith.constant 0 : i32
        %dma_start3A_252 = arith.constant 0 : i32
        %dma_start3A_253 = tpu.memref_slice %arg12[%dma_start3A_251, %dma_start3A_252] : memref<10240x16xf32, #tpu.memory_space<vmem_shared>> -> memref<10240x16xf32, #tpu.memory_space<vmem_shared>>
        tpu.enqueue_indirect_dma source(%dma_start3A_253 : memref<10240x16xf32, #tpu.memory_space<vmem_shared>>) target(%arg10 : memref<128x16xf32, #tpu.memory_space<vmem>>) offsets(%dma_start3A_250 : memref<128xi32, #tpu.memory_space<vmem>>) semaphore(%arg15 : memref<!tpu.dma_semaphore, #tpu.memory_space<semaphore_mem>>)
      } else {
      }
      %add3A_227 = arith.constant 3 : i32
      %add3A_228 = arith.addi %add3A_114, %add3A_227 : i32
      %dma_wait3A_229 = arith.constant 0 : i32
      %dma_wait3A_230 = tpu.memref_slice %arg7[%add3A_228, %dma_wait3A_229] : memref<80x128xi32, #tpu.memory_space<vmem>> -> memref<1x128xi32, #tpu.memory_space<vmem>>
      %dma_wait3A_231 = tpu.memref_squeeze %dma_wait3A_230 : memref<1x128xi32, #tpu.memory_space<vmem>> -> memref<128xi32, #tpu.memory_space<vmem>>
      %dma_wait3A_232 = arith.constant 0 : i32
      %dma_wait3A_233 = arith.constant 0 : i32
      %dma_wait3A_234 = tpu.memref_slice %arg13[%dma_wait3A_232, %dma_wait3A_233] : memref<10240x16xf32, #tpu.memory_space<vmem_shared>> -> memref<10240x16xf32, #tpu.memory_space<vmem_shared>>
      tpu.wait_indirect_dma semaphore(%arg16 : memref<!tpu.dma_semaphore, #tpu.memory_space<semaphore_mem>>) src(%arg11 : memref<128x16xf32, #tpu.memory_space<vmem>>) dst(%dma_wait3A_234 : memref<10240x16xf32, #tpu.memory_space<vmem_shared>>)
      %add3A_235 = arith.constant 4 : i32
      %add3A_236 = arith.addi %add3A_114, %add3A_235 : i32
      %add3A_237 = arith.constant 3 : i32
      %add3A_238 = arith.addi %add3A_236, %add3A_237 : i32
      %lt3A_239 = arith.constant 80 : i32
      %lt3A_240 = arith.cmpi slt, %add3A_238, %lt3A_239 : i32
      %convert_element_type3A_241 = arith.extui %lt3A_240 : i1 to i32
      %cond3A_242 = arith.constant 0 : i32
      %cond3A_243 = arith.cmpi ne, %convert_element_type3A_241, %cond3A_242 : i32
      scf.if %cond3A_243 {
        %add3A_244 = arith.constant 4 : i32
        %add3A_245 = arith.addi %add3A_114, %add3A_244 : i32
        %add3A_246 = arith.constant 3 : i32
        %add3A_247 = arith.addi %add3A_245, %add3A_246 : i32
        %dma_start3A_248 = arith.constant 0 : i32
        %dma_start3A_249 = tpu.memref_slice %arg6[%add3A_247, %dma_start3A_248] : memref<80x128xi32, #tpu.memory_space<vmem>> -> memref<1x128xi32, #tpu.memory_space<vmem>>
        %dma_start3A_250 = tpu.memref_squeeze %dma_start3A_249 : memref<1x128xi32, #tpu.memory_space<vmem>> -> memref<128xi32, #tpu.memory_space<vmem>>
        %dma_start3A_251 = arith.constant 0 : i32
        %dma_start3A_252 = arith.constant 0 : i32
        %dma_start3A_253 = tpu.memref_slice %arg12[%dma_start3A_251, %dma_start3A_252] : memref<10240x16xf32, #tpu.memory_space<vmem_shared>> -> memref<10240x16xf32, #tpu.memory_space<vmem_shared>>
        tpu.enqueue_indirect_dma source(%dma_start3A_253 : memref<10240x16xf32, #tpu.memory_space<vmem_shared>>) target(%arg11 : memref<128x16xf32, #tpu.memory_space<vmem>>) offsets(%dma_start3A_250 : memref<128xi32, #tpu.memory_space<vmem>>) semaphore(%arg15 : memref<!tpu.dma_semaphore, #tpu.memory_space<semaphore_mem>>)
      } else {
      }
    }
    %scan3A_104 = arith.constant 20 : i32
    %barrier3A_105 = arith.constant 0 : index
    tpu.barrier barrier_id(%barrier3A_105)
    %mul3A_106 = arith.constant 640 : i32
    %mul3A_107 = arith.muli %arg1, %mul3A_106 : i32
    %mul3A_108 = arith.constant 640 : i32
    %mul3A_109 = arith.muli %arg1, %mul3A_108 : i32
    "tpu.region"() ({
      %run_scoped3A = tpu.sem_alloc : memref<!tpu.dma_semaphore, #tpu.memory_space<semaphore_mem>>
      %dma_start3A_110 = arith.constant 0 : i32
      %dma_start3A_111 = arith.constant 0 : i32
      %dma_start3A_112 = tpu.memref_slice %arg5[%arg0, %dma_start3A_110, %dma_start3A_111] : memref<2x10240x16xf32, #tpu.memory_space<hbm>> -> memref<1x10240x16xf32, #tpu.memory_space<hbm>>
      %dma_start3A_113 = tpu.memref_squeeze %dma_start3A_112 : memref<1x10240x16xf32, #tpu.memory_space<hbm>> -> memref<10240x16xf32, #tpu.memory_space<hbm>>
      %dma_start3A_114 = arith.constant 0 : i32
      %dma_start3A_115 = tpu.memref_slice %dma_start3A_113[%mul3A_109, %dma_start3A_114] : memref<10240x16xf32, #tpu.memory_space<hbm>> -> memref<640x16xf32, #tpu.memory_space<hbm>>
      %dma_start3A_116 = arith.constant 0 : i32
      %dma_start3A_117 = tpu.memref_slice %arg13[%mul3A_107, %dma_start3A_116] : memref<10240x16xf32, #tpu.memory_space<vmem_shared>> -> memref<640x16xf32, #tpu.memory_space<vmem_shared>>
      tpu.enqueue_dma source(%dma_start3A_117 : memref<640x16xf32, #tpu.memory_space<vmem_shared>>) target(%dma_start3A_115 : memref<640x16xf32, #tpu.memory_space<hbm>>) target_semaphore(%run_scoped3A : memref<!tpu.dma_semaphore, #tpu.memory_space<semaphore_mem>>)
      %dma_wait3A_118 = arith.constant 0 : i32
      %dma_wait3A_119 = arith.constant 0 : i32
      %dma_wait3A_120 = tpu.memref_slice %arg5[%arg0, %dma_wait3A_118, %dma_wait3A_119] : memref<2x10240x16xf32, #tpu.memory_space<hbm>> -> memref<1x10240x16xf32, #tpu.memory_space<hbm>>
      %dma_wait3A_121 = tpu.memref_squeeze %dma_wait3A_120 : memref<1x10240x16xf32, #tpu.memory_space<hbm>> -> memref<10240x16xf32, #tpu.memory_space<hbm>>
      %dma_wait3A_122 = arith.constant 0 : i32
      %dma_wait3A_123 = tpu.memref_slice %dma_wait3A_121[%mul3A_109, %dma_wait3A_122] : memref<10240x16xf32, #tpu.memory_space<hbm>> -> memref<640x16xf32, #tpu.memory_space<hbm>>
      %dma_wait3A_124 = arith.constant 0 : i32
      %dma_wait3A_125 = tpu.memref_slice %arg13[%mul3A_107, %dma_wait3A_124] : memref<10240x16xf32, #tpu.memory_space<vmem_shared>> -> memref<640x16xf32, #tpu.memory_space<vmem_shared>>
      tpu.wait_dma2 semaphore(%run_scoped3A : memref<!tpu.dma_semaphore, #tpu.memory_space<semaphore_mem>>) src(%dma_wait3A_125 : memref<640x16xf32, #tpu.memory_space<vmem_shared>>) dst(%dma_wait3A_123 : memref<640x16xf32, #tpu.memory_space<hbm>>)
      tpu.yield
    }) : () -> ()
    return
  }
}

#map = affine_map<(d0, d1) -> (0, 0)>
#map1 = affine_map<(d0, d1) -> (0, 0, 0)>
module attributes {stable_mosaic.version = 14 : i64} {
  func.func @_sc_aggregate(%arg0: i32, %arg1: i32, %arg2: memref<10240x16xf32, #tpu.memory_space<hbm>>, %arg3: memref<2x2560x128xi32, #tpu.memory_space<hbm>>, %arg4: memref<640x16xf32, #tpu.memory_space<hbm>>, %arg5: memref<2x10240x16xf32, #tpu.memory_space<hbm>>, %arg6: memref<80x128xi32, #tpu.memory_space<vmem>>, %arg7: memref<80x128xi32, #tpu.memory_space<vmem>>, %arg8: memref<128x16xf32, #tpu.memory_space<vmem>>, %arg9: memref<128x16xf32, #tpu.memory_space<vmem>>, %arg10: memref<128x16xf32, #tpu.memory_space<vmem>>, %arg11: memref<128x16xf32, #tpu.memory_space<vmem>>, %arg12: memref<10240x16xf32, #tpu.memory_space<vmem_shared>>, %arg13: memref<10240x16xf32, #tpu.memory_space<vmem_shared>>, %arg14: memref<!tpu.dma_semaphore, #tpu.memory_space<semaphore_mem>>, %arg15: memref<!tpu.dma_semaphore, #tpu.memory_space<semaphore_mem>>, %arg16: memref<!tpu.dma_semaphore, #tpu.memory_space<semaphore_mem>>) attributes {dimension_semantics = [#tpu.dimension_semantics<core_parallel>, #tpu.dimension_semantics<subcore_parallel>], iteration_bounds = array<i64: 2, 16>, scalar_prefetch = 0 : i64, scratch_operands = 11 : i64, tpu.core_type = #tpu.core_type<sc_vector_subcore>, window_params = [{transform_indices = #map}, {transform_indices = #map1}, {transform_indices = #map}, {transform_indices = #map1}]} {
    %mul3A = arith.constant 16 : i32
    %mul3A_0 = arith.muli %arg0, %mul3A : i32
    %add3A = arith.addi %mul3A_0, %arg1 : i32
    %mul3A_1 = arith.constant 640 : i32
    %mul3A_2 = arith.muli %arg1, %mul3A_1 : i32
    %mul3A_3 = arith.constant 640 : i32
    %mul3A_4 = arith.muli %arg1, %mul3A_3 : i32
    %mul3A_5 = arith.constant 640 : i32
    %mul3A_6 = arith.muli %arg1, %mul3A_5 : i32
    %mul3A_7 = arith.constant 80 : i32
    %mul3A_8 = arith.muli %add3A, %mul3A_7 : i32
    %mul3A_9 = arith.constant 80 : i32
    %mul3A_10 = arith.muli %add3A, %mul3A_9 : i32
    %dma_start3A = arith.constant 0 : i32
    %dma_start3A_11 = tpu.memref_slice %arg12[%mul3A_4, %dma_start3A] : memref<10240x16xf32, #tpu.memory_space<vmem_shared>> -> memref<640x16xf32, #tpu.memory_space<vmem_shared>>
    %dma_start3A_12 = arith.constant 0 : i32
    %dma_start3A_13 = tpu.memref_slice %arg2[%mul3A_2, %dma_start3A_12] : memref<10240x16xf32, #tpu.memory_space<hbm>> -> memref<640x16xf32, #tpu.memory_space<hbm>>
    tpu.enqueue_dma source(%dma_start3A_13 : memref<640x16xf32, #tpu.memory_space<hbm>>) target(%dma_start3A_11 : memref<640x16xf32, #tpu.memory_space<vmem_shared>>) target_semaphore(%arg14 : memref<!tpu.dma_semaphore, #tpu.memory_space<semaphore_mem>>)
    %dma_start3A_14 = arith.constant 0 : i32
    %dma_start3A_15 = tpu.memref_slice %arg13[%mul3A_6, %dma_start3A_14] : memref<10240x16xf32, #tpu.memory_space<vmem_shared>> -> memref<640x16xf32, #tpu.memory_space<vmem_shared>>
    tpu.enqueue_dma source(%arg4 : memref<640x16xf32, #tpu.memory_space<hbm>>) target(%dma_start3A_15 : memref<640x16xf32, #tpu.memory_space<vmem_shared>>) target_semaphore(%arg14 : memref<!tpu.dma_semaphore, #tpu.memory_space<semaphore_mem>>)
    %dma_start3A_16 = arith.constant 0 : i32
    %dma_start3A_17 = arith.constant 0 : i32
    %dma_start3A_18 = arith.constant 0 : i32
    %dma_start3A_19 = tpu.memref_slice %arg3[%dma_start3A_16, %dma_start3A_17, %dma_start3A_18] : memref<2x2560x128xi32, #tpu.memory_space<hbm>> -> memref<1x2560x128xi32, #tpu.memory_space<hbm>>
    %dma_start3A_20 = tpu.memref_squeeze %dma_start3A_19 : memref<1x2560x128xi32, #tpu.memory_space<hbm>> -> memref<2560x128xi32, #tpu.memory_space<hbm>>
    %dma_start3A_21 = arith.constant 0 : i32
    %dma_start3A_22 = tpu.memref_slice %dma_start3A_20[%mul3A_8, %dma_start3A_21] : memref<2560x128xi32, #tpu.memory_space<hbm>> -> memref<80x128xi32, #tpu.memory_space<hbm>>
    %dma_start3A_23 = arith.constant 0 : i32
    %dma_start3A_24 = arith.constant 0 : i32
    %dma_start3A_25 = tpu.memref_slice %arg3[%dma_start3A_16, %dma_start3A_23, %dma_start3A_24] : memref<2x2560x128xi32, #tpu.memory_space<hbm>> -> memref<1x2560x128xi32, #tpu.memory_space<hbm>>
    %dma_start3A_26 = tpu.memref_squeeze %dma_start3A_25 : memref<1x2560x128xi32, #tpu.memory_space<hbm>> -> memref<2560x128xi32, #tpu.memory_space<hbm>>
    %dma_start3A_27 = arith.constant 0 : i32
    %dma_start3A_28 = tpu.memref_slice %dma_start3A_26[%mul3A_8, %dma_start3A_27] : memref<2560x128xi32, #tpu.memory_space<hbm>> -> memref<80x128xi32, #tpu.memory_space<hbm>>
    tpu.enqueue_dma source(%dma_start3A_28 : memref<80x128xi32, #tpu.memory_space<hbm>>) target(%arg6 : memref<80x128xi32, #tpu.memory_space<vmem>>) target_semaphore(%arg14 : memref<!tpu.dma_semaphore, #tpu.memory_space<semaphore_mem>>)
    %dma_start3A_29 = arith.constant 1 : i32
    %dma_start3A_30 = arith.constant 0 : i32
    %dma_start3A_31 = arith.constant 0 : i32
    %dma_start3A_32 = tpu.memref_slice %arg3[%dma_start3A_29, %dma_start3A_30, %dma_start3A_31] : memref<2x2560x128xi32, #tpu.memory_space<hbm>> -> memref<1x2560x128xi32, #tpu.memory_space<hbm>>
    %dma_start3A_33 = tpu.memref_squeeze %dma_start3A_32 : memref<1x2560x128xi32, #tpu.memory_space<hbm>> -> memref<2560x128xi32, #tpu.memory_space<hbm>>
    %dma_start3A_34 = arith.constant 0 : i32
    %dma_start3A_35 = tpu.memref_slice %dma_start3A_33[%mul3A_10, %dma_start3A_34] : memref<2560x128xi32, #tpu.memory_space<hbm>> -> memref<80x128xi32, #tpu.memory_space<hbm>>
    %dma_start3A_36 = arith.constant 0 : i32
    %dma_start3A_37 = arith.constant 0 : i32
    %dma_start3A_38 = tpu.memref_slice %arg3[%dma_start3A_29, %dma_start3A_36, %dma_start3A_37] : memref<2x2560x128xi32, #tpu.memory_space<hbm>> -> memref<1x2560x128xi32, #tpu.memory_space<hbm>>
    %dma_start3A_39 = tpu.memref_squeeze %dma_start3A_38 : memref<1x2560x128xi32, #tpu.memory_space<hbm>> -> memref<2560x128xi32, #tpu.memory_space<hbm>>
    %dma_start3A_40 = arith.constant 0 : i32
    %dma_start3A_41 = tpu.memref_slice %dma_start3A_39[%mul3A_10, %dma_start3A_40] : memref<2560x128xi32, #tpu.memory_space<hbm>> -> memref<80x128xi32, #tpu.memory_space<hbm>>
    tpu.enqueue_dma source(%dma_start3A_41 : memref<80x128xi32, #tpu.memory_space<hbm>>) target(%arg7 : memref<80x128xi32, #tpu.memory_space<vmem>>) target_semaphore(%arg14 : memref<!tpu.dma_semaphore, #tpu.memory_space<semaphore_mem>>)
    %dma_wait3A = arith.constant 0 : i32
    %dma_wait3A_42 = tpu.memref_slice %arg12[%mul3A_4, %dma_wait3A] : memref<10240x16xf32, #tpu.memory_space<vmem_shared>> -> memref<640x16xf32, #tpu.memory_space<vmem_shared>>
    %dma_wait3A_43 = arith.constant 0 : i32
    %dma_wait3A_44 = tpu.memref_slice %arg2[%mul3A_2, %dma_wait3A_43] : memref<10240x16xf32, #tpu.memory_space<hbm>> -> memref<640x16xf32, #tpu.memory_space<hbm>>
    tpu.wait_dma2 semaphore(%arg14 : memref<!tpu.dma_semaphore, #tpu.memory_space<semaphore_mem>>) src(%dma_wait3A_44 : memref<640x16xf32, #tpu.memory_space<hbm>>) dst(%dma_wait3A_42 : memref<640x16xf32, #tpu.memory_space<vmem_shared>>)
    %dma_wait3A_45 = arith.constant 0 : i32
    %dma_wait3A_46 = tpu.memref_slice %arg13[%mul3A_6, %dma_wait3A_45] : memref<10240x16xf32, #tpu.memory_space<vmem_shared>> -> memref<640x16xf32, #tpu.memory_space<vmem_shared>>
    tpu.wait_dma2 semaphore(%arg14 : memref<!tpu.dma_semaphore, #tpu.memory_space<semaphore_mem>>) src(%arg4 : memref<640x16xf32, #tpu.memory_space<hbm>>) dst(%dma_wait3A_46 : memref<640x16xf32, #tpu.memory_space<vmem_shared>>)
    %dma_wait3A_47 = arith.constant 0 : i32
    %dma_wait3A_48 = arith.constant 0 : i32
    %dma_wait3A_49 = arith.constant 0 : i32
    %dma_wait3A_50 = tpu.memref_slice %arg3[%dma_wait3A_47, %dma_wait3A_48, %dma_wait3A_49] : memref<2x2560x128xi32, #tpu.memory_space<hbm>> -> memref<1x2560x128xi32, #tpu.memory_space<hbm>>
    %dma_wait3A_51 = tpu.memref_squeeze %dma_wait3A_50 : memref<1x2560x128xi32, #tpu.memory_space<hbm>> -> memref<2560x128xi32, #tpu.memory_space<hbm>>
    %dma_wait3A_52 = arith.constant 0 : i32
    %dma_wait3A_53 = tpu.memref_slice %dma_wait3A_51[%mul3A_8, %dma_wait3A_52] : memref<2560x128xi32, #tpu.memory_space<hbm>> -> memref<80x128xi32, #tpu.memory_space<hbm>>
    %dma_wait3A_54 = arith.constant 0 : i32
    %dma_wait3A_55 = arith.constant 0 : i32
    %dma_wait3A_56 = tpu.memref_slice %arg3[%dma_wait3A_47, %dma_wait3A_54, %dma_wait3A_55] : memref<2x2560x128xi32, #tpu.memory_space<hbm>> -> memref<1x2560x128xi32, #tpu.memory_space<hbm>>
    %dma_wait3A_57 = tpu.memref_squeeze %dma_wait3A_56 : memref<1x2560x128xi32, #tpu.memory_space<hbm>> -> memref<2560x128xi32, #tpu.memory_space<hbm>>
    %dma_wait3A_58 = arith.constant 0 : i32
    %dma_wait3A_59 = tpu.memref_slice %dma_wait3A_57[%mul3A_8, %dma_wait3A_58] : memref<2560x128xi32, #tpu.memory_space<hbm>> -> memref<80x128xi32, #tpu.memory_space<hbm>>
    tpu.wait_dma2 semaphore(%arg14 : memref<!tpu.dma_semaphore, #tpu.memory_space<semaphore_mem>>) src(%dma_wait3A_59 : memref<80x128xi32, #tpu.memory_space<hbm>>) dst(%arg6 : memref<80x128xi32, #tpu.memory_space<vmem>>)
    %dma_wait3A_60 = arith.constant 1 : i32
    %dma_wait3A_61 = arith.constant 0 : i32
    %dma_wait3A_62 = arith.constant 0 : i32
    %dma_wait3A_63 = tpu.memref_slice %arg3[%dma_wait3A_60, %dma_wait3A_61, %dma_wait3A_62] : memref<2x2560x128xi32, #tpu.memory_space<hbm>> -> memref<1x2560x128xi32, #tpu.memory_space<hbm>>
    %dma_wait3A_64 = tpu.memref_squeeze %dma_wait3A_63 : memref<1x2560x128xi32, #tpu.memory_space<hbm>> -> memref<2560x128xi32, #tpu.memory_space<hbm>>
    %dma_wait3A_65 = arith.constant 0 : i32
    %dma_wait3A_66 = tpu.memref_slice %dma_wait3A_64[%mul3A_10, %dma_wait3A_65] : memref<2560x128xi32, #tpu.memory_space<hbm>> -> memref<80x128xi32, #tpu.memory_space<hbm>>
    %dma_wait3A_67 = arith.constant 0 : i32
    %dma_wait3A_68 = arith.constant 0 : i32
    %dma_wait3A_69 = tpu.memref_slice %arg3[%dma_wait3A_60, %dma_wait3A_67, %dma_wait3A_68] : memref<2x2560x128xi32, #tpu.memory_space<hbm>> -> memref<1x2560x128xi32, #tpu.memory_space<hbm>>
    %dma_wait3A_70 = tpu.memref_squeeze %dma_wait3A_69 : memref<1x2560x128xi32, #tpu.memory_space<hbm>> -> memref<2560x128xi32, #tpu.memory_space<hbm>>
    %dma_wait3A_71 = arith.constant 0 : i32
    %dma_wait3A_72 = tpu.memref_slice %dma_wait3A_70[%mul3A_10, %dma_wait3A_71] : memref<2560x128xi32, #tpu.memory_space<hbm>> -> memref<80x128xi32, #tpu.memory_space<hbm>>
    tpu.wait_dma2 semaphore(%arg14 : memref<!tpu.dma_semaphore, #tpu.memory_space<semaphore_mem>>) src(%dma_wait3A_72 : memref<80x128xi32, #tpu.memory_space<hbm>>) dst(%arg7 : memref<80x128xi32, #tpu.memory_space<vmem>>)
    %barrier3A = arith.constant 0 : index
    tpu.barrier barrier_id(%barrier3A)
    %dma_start3A_73 = arith.constant 0 : i32
    %dma_start3A_74 = arith.constant 0 : i32
    %dma_start3A_75 = tpu.memref_slice %arg6[%dma_start3A_73, %dma_start3A_74] : memref<80x128xi32, #tpu.memory_space<vmem>> -> memref<1x128xi32, #tpu.memory_space<vmem>>
    %dma_start3A_76 = tpu.memref_squeeze %dma_start3A_75 : memref<1x128xi32, #tpu.memory_space<vmem>> -> memref<128xi32, #tpu.memory_space<vmem>>
    %dma_start3A_77 = arith.constant 0 : i32
    %dma_start3A_78 = arith.constant 0 : i32
    %dma_start3A_79 = tpu.memref_slice %arg12[%dma_start3A_77, %dma_start3A_78] : memref<10240x16xf32, #tpu.memory_space<vmem_shared>> -> memref<10240x16xf32, #tpu.memory_space<vmem_shared>>
    tpu.enqueue_indirect_dma source(%dma_start3A_79 : memref<10240x16xf32, #tpu.memory_space<vmem_shared>>) target(%arg8 : memref<128x16xf32, #tpu.memory_space<vmem>>) offsets(%dma_start3A_76 : memref<128xi32, #tpu.memory_space<vmem>>) semaphore(%arg15 : memref<!tpu.dma_semaphore, #tpu.memory_space<semaphore_mem>>)
    %dma_start3A_80 = arith.constant 1 : i32
    %dma_start3A_81 = arith.constant 0 : i32
    %dma_start3A_82 = tpu.memref_slice %arg6[%dma_start3A_80, %dma_start3A_81] : memref<80x128xi32, #tpu.memory_space<vmem>> -> memref<1x128xi32, #tpu.memory_space<vmem>>
    %dma_start3A_83 = tpu.memref_squeeze %dma_start3A_82 : memref<1x128xi32, #tpu.memory_space<vmem>> -> memref<128xi32, #tpu.memory_space<vmem>>
    %dma_start3A_84 = arith.constant 0 : i32
    %dma_start3A_85 = arith.constant 0 : i32
    %dma_start3A_86 = tpu.memref_slice %arg12[%dma_start3A_84, %dma_start3A_85] : memref<10240x16xf32, #tpu.memory_space<vmem_shared>> -> memref<10240x16xf32, #tpu.memory_space<vmem_shared>>
    tpu.enqueue_indirect_dma source(%dma_start3A_86 : memref<10240x16xf32, #tpu.memory_space<vmem_shared>>) target(%arg9 : memref<128x16xf32, #tpu.memory_space<vmem>>) offsets(%dma_start3A_83 : memref<128xi32, #tpu.memory_space<vmem>>) semaphore(%arg15 : memref<!tpu.dma_semaphore, #tpu.memory_space<semaphore_mem>>)
    %dma_start3A_87 = arith.constant 2 : i32
    %dma_start3A_88 = arith.constant 0 : i32
    %dma_start3A_89 = tpu.memref_slice %arg6[%dma_start3A_87, %dma_start3A_88] : memref<80x128xi32, #tpu.memory_space<vmem>> -> memref<1x128xi32, #tpu.memory_space<vmem>>
    %dma_start3A_90 = tpu.memref_squeeze %dma_start3A_89 : memref<1x128xi32, #tpu.memory_space<vmem>> -> memref<128xi32, #tpu.memory_space<vmem>>
    %dma_start3A_91 = arith.constant 0 : i32
    %dma_start3A_92 = arith.constant 0 : i32
    %dma_start3A_93 = tpu.memref_slice %arg12[%dma_start3A_91, %dma_start3A_92] : memref<10240x16xf32, #tpu.memory_space<vmem_shared>> -> memref<10240x16xf32, #tpu.memory_space<vmem_shared>>
    tpu.enqueue_indirect_dma source(%dma_start3A_93 : memref<10240x16xf32, #tpu.memory_space<vmem_shared>>) target(%arg10 : memref<128x16xf32, #tpu.memory_space<vmem>>) offsets(%dma_start3A_90 : memref<128xi32, #tpu.memory_space<vmem>>) semaphore(%arg15 : memref<!tpu.dma_semaphore, #tpu.memory_space<semaphore_mem>>)
    %dma_start3A_94 = arith.constant 3 : i32
    %dma_start3A_95 = arith.constant 0 : i32
    %dma_start3A_96 = tpu.memref_slice %arg6[%dma_start3A_94, %dma_start3A_95] : memref<80x128xi32, #tpu.memory_space<vmem>> -> memref<1x128xi32, #tpu.memory_space<vmem>>
    %dma_start3A_97 = tpu.memref_squeeze %dma_start3A_96 : memref<1x128xi32, #tpu.memory_space<vmem>> -> memref<128xi32, #tpu.memory_space<vmem>>
    %dma_start3A_98 = arith.constant 0 : i32
    %dma_start3A_99 = arith.constant 0 : i32
    %dma_start3A_100 = tpu.memref_slice %arg12[%dma_start3A_98, %dma_start3A_99] : memref<10240x16xf32, #tpu.memory_space<vmem_shared>> -> memref<10240x16xf32, #tpu.memory_space<vmem_shared>>
    tpu.enqueue_indirect_dma source(%dma_start3A_100 : memref<10240x16xf32, #tpu.memory_space<vmem_shared>>) target(%arg11 : memref<128x16xf32, #tpu.memory_space<vmem>>) offsets(%dma_start3A_97 : memref<128xi32, #tpu.memory_space<vmem>>) semaphore(%arg15 : memref<!tpu.dma_semaphore, #tpu.memory_space<semaphore_mem>>)
    %scan3A = arith.constant 0 : i32
    %scan3A_101 = arith.constant 20 : i32
    %scan3A_102 = arith.addi %scan3A, %scan3A_101 : i32
    %scan3A_103 = arith.constant 1 : i32
    scf.for %scan3A_110 = %scan3A to %scan3A_102 step %scan3A_103  : i32 {
      %mul3A_111 = arith.constant 4 : i32
      %mul3A_112 = arith.muli %scan3A_110, %mul3A_111 : i32
      %add3A_113 = arith.constant 0 : i32
      %add3A_114 = arith.addi %add3A_113, %mul3A_112 : i32
      %add3A_115 = arith.constant 0 : i32
      %add3A_116 = arith.addi %add3A_114, %add3A_115 : i32
      %dma_wait3A_117 = arith.constant 0 : i32
      %dma_wait3A_118 = tpu.memref_slice %arg6[%add3A_116, %dma_wait3A_117] : memref<80x128xi32, #tpu.memory_space<vmem>> -> memref<1x128xi32, #tpu.memory_space<vmem>>
      %dma_wait3A_119 = tpu.memref_squeeze %dma_wait3A_118 : memref<1x128xi32, #tpu.memory_space<vmem>> -> memref<128xi32, #tpu.memory_space<vmem>>
      %dma_wait3A_120 = arith.constant 0 : i32
      %dma_wait3A_121 = arith.constant 0 : i32
      %dma_wait3A_122 = tpu.memref_slice %arg12[%dma_wait3A_120, %dma_wait3A_121] : memref<10240x16xf32, #tpu.memory_space<vmem_shared>> -> memref<10240x16xf32, #tpu.memory_space<vmem_shared>>
      tpu.wait_indirect_dma semaphore(%arg15 : memref<!tpu.dma_semaphore, #tpu.memory_space<semaphore_mem>>) src(%dma_wait3A_122 : memref<10240x16xf32, #tpu.memory_space<vmem_shared>>) dst(%arg8 : memref<128x16xf32, #tpu.memory_space<vmem>>)
      %add3A_123 = arith.constant 0 : i32
      %add3A_124 = arith.addi %add3A_114, %add3A_123 : i32
      %dma_start3A_125 = arith.constant 0 : i32
      %dma_start3A_126 = tpu.memref_slice %arg7[%add3A_124, %dma_start3A_125] : memref<80x128xi32, #tpu.memory_space<vmem>> -> memref<1x128xi32, #tpu.memory_space<vmem>>
      %dma_start3A_127 = tpu.memref_squeeze %dma_start3A_126 : memref<1x128xi32, #tpu.memory_space<vmem>> -> memref<128xi32, #tpu.memory_space<vmem>>
      %dma_start3A_128 = arith.constant 0 : i32
      %dma_start3A_129 = arith.constant 0 : i32
      %dma_start3A_130 = tpu.memref_slice %arg13[%dma_start3A_128, %dma_start3A_129] : memref<10240x16xf32, #tpu.memory_space<vmem_shared>> -> memref<10240x16xf32, #tpu.memory_space<vmem_shared>>
      tpu.enqueue_indirect_dma source(%arg8 : memref<128x16xf32, #tpu.memory_space<vmem>>) target(%dma_start3A_130 : memref<10240x16xf32, #tpu.memory_space<vmem_shared>>) offsets(%dma_start3A_127 : memref<128xi32, #tpu.memory_space<vmem>>) semaphore(%arg16 : memref<!tpu.dma_semaphore, #tpu.memory_space<semaphore_mem>>) {add = true}
      %add3A_131 = arith.constant 1 : i32
      %add3A_132 = arith.addi %add3A_114, %add3A_131 : i32
      %dma_wait3A_133 = arith.constant 0 : i32
      %dma_wait3A_134 = tpu.memref_slice %arg6[%add3A_132, %dma_wait3A_133] : memref<80x128xi32, #tpu.memory_space<vmem>> -> memref<1x128xi32, #tpu.memory_space<vmem>>
      %dma_wait3A_135 = tpu.memref_squeeze %dma_wait3A_134 : memref<1x128xi32, #tpu.memory_space<vmem>> -> memref<128xi32, #tpu.memory_space<vmem>>
      %dma_wait3A_136 = arith.constant 0 : i32
      %dma_wait3A_137 = arith.constant 0 : i32
      %dma_wait3A_138 = tpu.memref_slice %arg12[%dma_wait3A_136, %dma_wait3A_137] : memref<10240x16xf32, #tpu.memory_space<vmem_shared>> -> memref<10240x16xf32, #tpu.memory_space<vmem_shared>>
      tpu.wait_indirect_dma semaphore(%arg15 : memref<!tpu.dma_semaphore, #tpu.memory_space<semaphore_mem>>) src(%dma_wait3A_138 : memref<10240x16xf32, #tpu.memory_space<vmem_shared>>) dst(%arg9 : memref<128x16xf32, #tpu.memory_space<vmem>>)
      %add3A_139 = arith.constant 1 : i32
      %add3A_140 = arith.addi %add3A_114, %add3A_139 : i32
      %dma_start3A_141 = arith.constant 0 : i32
      %dma_start3A_142 = tpu.memref_slice %arg7[%add3A_140, %dma_start3A_141] : memref<80x128xi32, #tpu.memory_space<vmem>> -> memref<1x128xi32, #tpu.memory_space<vmem>>
      %dma_start3A_143 = tpu.memref_squeeze %dma_start3A_142 : memref<1x128xi32, #tpu.memory_space<vmem>> -> memref<128xi32, #tpu.memory_space<vmem>>
      %dma_start3A_144 = arith.constant 0 : i32
      %dma_start3A_145 = arith.constant 0 : i32
      %dma_start3A_146 = tpu.memref_slice %arg13[%dma_start3A_144, %dma_start3A_145] : memref<10240x16xf32, #tpu.memory_space<vmem_shared>> -> memref<10240x16xf32, #tpu.memory_space<vmem_shared>>
      tpu.enqueue_indirect_dma source(%arg9 : memref<128x16xf32, #tpu.memory_space<vmem>>) target(%dma_start3A_146 : memref<10240x16xf32, #tpu.memory_space<vmem_shared>>) offsets(%dma_start3A_143 : memref<128xi32, #tpu.memory_space<vmem>>) semaphore(%arg16 : memref<!tpu.dma_semaphore, #tpu.memory_space<semaphore_mem>>) {add = true}
      %add3A_147 = arith.constant 2 : i32
      %add3A_148 = arith.addi %add3A_114, %add3A_147 : i32
      %dma_wait3A_149 = arith.constant 0 : i32
      %dma_wait3A_150 = tpu.memref_slice %arg6[%add3A_148, %dma_wait3A_149] : memref<80x128xi32, #tpu.memory_space<vmem>> -> memref<1x128xi32, #tpu.memory_space<vmem>>
      %dma_wait3A_151 = tpu.memref_squeeze %dma_wait3A_150 : memref<1x128xi32, #tpu.memory_space<vmem>> -> memref<128xi32, #tpu.memory_space<vmem>>
      %dma_wait3A_152 = arith.constant 0 : i32
      %dma_wait3A_153 = arith.constant 0 : i32
      %dma_wait3A_154 = tpu.memref_slice %arg12[%dma_wait3A_152, %dma_wait3A_153] : memref<10240x16xf32, #tpu.memory_space<vmem_shared>> -> memref<10240x16xf32, #tpu.memory_space<vmem_shared>>
      tpu.wait_indirect_dma semaphore(%arg15 : memref<!tpu.dma_semaphore, #tpu.memory_space<semaphore_mem>>) src(%dma_wait3A_154 : memref<10240x16xf32, #tpu.memory_space<vmem_shared>>) dst(%arg10 : memref<128x16xf32, #tpu.memory_space<vmem>>)
      %add3A_155 = arith.constant 2 : i32
      %add3A_156 = arith.addi %add3A_114, %add3A_155 : i32
      %dma_start3A_157 = arith.constant 0 : i32
      %dma_start3A_158 = tpu.memref_slice %arg7[%add3A_156, %dma_start3A_157] : memref<80x128xi32, #tpu.memory_space<vmem>> -> memref<1x128xi32, #tpu.memory_space<vmem>>
      %dma_start3A_159 = tpu.memref_squeeze %dma_start3A_158 : memref<1x128xi32, #tpu.memory_space<vmem>> -> memref<128xi32, #tpu.memory_space<vmem>>
      %dma_start3A_160 = arith.constant 0 : i32
      %dma_start3A_161 = arith.constant 0 : i32
      %dma_start3A_162 = tpu.memref_slice %arg13[%dma_start3A_160, %dma_start3A_161] : memref<10240x16xf32, #tpu.memory_space<vmem_shared>> -> memref<10240x16xf32, #tpu.memory_space<vmem_shared>>
      tpu.enqueue_indirect_dma source(%arg10 : memref<128x16xf32, #tpu.memory_space<vmem>>) target(%dma_start3A_162 : memref<10240x16xf32, #tpu.memory_space<vmem_shared>>) offsets(%dma_start3A_159 : memref<128xi32, #tpu.memory_space<vmem>>) semaphore(%arg16 : memref<!tpu.dma_semaphore, #tpu.memory_space<semaphore_mem>>) {add = true}
      %add3A_163 = arith.constant 3 : i32
      %add3A_164 = arith.addi %add3A_114, %add3A_163 : i32
      %dma_wait3A_165 = arith.constant 0 : i32
      %dma_wait3A_166 = tpu.memref_slice %arg6[%add3A_164, %dma_wait3A_165] : memref<80x128xi32, #tpu.memory_space<vmem>> -> memref<1x128xi32, #tpu.memory_space<vmem>>
      %dma_wait3A_167 = tpu.memref_squeeze %dma_wait3A_166 : memref<1x128xi32, #tpu.memory_space<vmem>> -> memref<128xi32, #tpu.memory_space<vmem>>
      %dma_wait3A_168 = arith.constant 0 : i32
      %dma_wait3A_169 = arith.constant 0 : i32
      %dma_wait3A_170 = tpu.memref_slice %arg12[%dma_wait3A_168, %dma_wait3A_169] : memref<10240x16xf32, #tpu.memory_space<vmem_shared>> -> memref<10240x16xf32, #tpu.memory_space<vmem_shared>>
      tpu.wait_indirect_dma semaphore(%arg15 : memref<!tpu.dma_semaphore, #tpu.memory_space<semaphore_mem>>) src(%dma_wait3A_170 : memref<10240x16xf32, #tpu.memory_space<vmem_shared>>) dst(%arg11 : memref<128x16xf32, #tpu.memory_space<vmem>>)
      %add3A_171 = arith.constant 3 : i32
      %add3A_172 = arith.addi %add3A_114, %add3A_171 : i32
      %dma_start3A_173 = arith.constant 0 : i32
      %dma_start3A_174 = tpu.memref_slice %arg7[%add3A_172, %dma_start3A_173] : memref<80x128xi32, #tpu.memory_space<vmem>> -> memref<1x128xi32, #tpu.memory_space<vmem>>
      %dma_start3A_175 = tpu.memref_squeeze %dma_start3A_174 : memref<1x128xi32, #tpu.memory_space<vmem>> -> memref<128xi32, #tpu.memory_space<vmem>>
      %dma_start3A_176 = arith.constant 0 : i32
      %dma_start3A_177 = arith.constant 0 : i32
      %dma_start3A_178 = tpu.memref_slice %arg13[%dma_start3A_176, %dma_start3A_177] : memref<10240x16xf32, #tpu.memory_space<vmem_shared>> -> memref<10240x16xf32, #tpu.memory_space<vmem_shared>>
      tpu.enqueue_indirect_dma source(%arg11 : memref<128x16xf32, #tpu.memory_space<vmem>>) target(%dma_start3A_178 : memref<10240x16xf32, #tpu.memory_space<vmem_shared>>) offsets(%dma_start3A_175 : memref<128xi32, #tpu.memory_space<vmem>>) semaphore(%arg16 : memref<!tpu.dma_semaphore, #tpu.memory_space<semaphore_mem>>) {add = true}
      %add3A_179 = arith.constant 0 : i32
      %add3A_180 = arith.addi %add3A_114, %add3A_179 : i32
      %dma_wait3A_181 = arith.constant 0 : i32
      %dma_wait3A_182 = tpu.memref_slice %arg7[%add3A_180, %dma_wait3A_181] : memref<80x128xi32, #tpu.memory_space<vmem>> -> memref<1x128xi32, #tpu.memory_space<vmem>>
      %dma_wait3A_183 = tpu.memref_squeeze %dma_wait3A_182 : memref<1x128xi32, #tpu.memory_space<vmem>> -> memref<128xi32, #tpu.memory_space<vmem>>
      %dma_wait3A_184 = arith.constant 0 : i32
      %dma_wait3A_185 = arith.constant 0 : i32
      %dma_wait3A_186 = tpu.memref_slice %arg13[%dma_wait3A_184, %dma_wait3A_185] : memref<10240x16xf32, #tpu.memory_space<vmem_shared>> -> memref<10240x16xf32, #tpu.memory_space<vmem_shared>>
      tpu.wait_indirect_dma semaphore(%arg16 : memref<!tpu.dma_semaphore, #tpu.memory_space<semaphore_mem>>) src(%arg8 : memref<128x16xf32, #tpu.memory_space<vmem>>) dst(%dma_wait3A_186 : memref<10240x16xf32, #tpu.memory_space<vmem_shared>>)
      %add3A_187 = arith.constant 4 : i32
      %add3A_188 = arith.addi %add3A_114, %add3A_187 : i32
      %add3A_189 = arith.constant 0 : i32
      %add3A_190 = arith.addi %add3A_188, %add3A_189 : i32
      %lt3A = arith.constant 80 : i32
      %lt3A_191 = arith.cmpi slt, %add3A_190, %lt3A : i32
      %convert_element_type3A = arith.extui %lt3A_191 : i1 to i32
      %cond3A = arith.constant 0 : i32
      %cond3A_192 = arith.cmpi ne, %convert_element_type3A, %cond3A : i32
      scf.if %cond3A_192 {
        %add3A_244 = arith.constant 4 : i32
        %add3A_245 = arith.addi %add3A_114, %add3A_244 : i32
        %add3A_246 = arith.constant 0 : i32
        %add3A_247 = arith.addi %add3A_245, %add3A_246 : i32
        %dma_start3A_248 = arith.constant 0 : i32
        %dma_start3A_249 = tpu.memref_slice %arg6[%add3A_247, %dma_start3A_248] : memref<80x128xi32, #tpu.memory_space<vmem>> -> memref<1x128xi32, #tpu.memory_space<vmem>>
        %dma_start3A_250 = tpu.memref_squeeze %dma_start3A_249 : memref<1x128xi32, #tpu.memory_space<vmem>> -> memref<128xi32, #tpu.memory_space<vmem>>
        %dma_start3A_251 = arith.constant 0 : i32
        %dma_start3A_252 = arith.constant 0 : i32
        %dma_start3A_253 = tpu.memref_slice %arg12[%dma_start3A_251, %dma_start3A_252] : memref<10240x16xf32, #tpu.memory_space<vmem_shared>> -> memref<10240x16xf32, #tpu.memory_space<vmem_shared>>
        tpu.enqueue_indirect_dma source(%dma_start3A_253 : memref<10240x16xf32, #tpu.memory_space<vmem_shared>>) target(%arg8 : memref<128x16xf32, #tpu.memory_space<vmem>>) offsets(%dma_start3A_250 : memref<128xi32, #tpu.memory_space<vmem>>) semaphore(%arg15 : memref<!tpu.dma_semaphore, #tpu.memory_space<semaphore_mem>>)
      } else {
      }
      %add3A_193 = arith.constant 1 : i32
      %add3A_194 = arith.addi %add3A_114, %add3A_193 : i32
      %dma_wait3A_195 = arith.constant 0 : i32
      %dma_wait3A_196 = tpu.memref_slice %arg7[%add3A_194, %dma_wait3A_195] : memref<80x128xi32, #tpu.memory_space<vmem>> -> memref<1x128xi32, #tpu.memory_space<vmem>>
      %dma_wait3A_197 = tpu.memref_squeeze %dma_wait3A_196 : memref<1x128xi32, #tpu.memory_space<vmem>> -> memref<128xi32, #tpu.memory_space<vmem>>
      %dma_wait3A_198 = arith.constant 0 : i32
      %dma_wait3A_199 = arith.constant 0 : i32
      %dma_wait3A_200 = tpu.memref_slice %arg13[%dma_wait3A_198, %dma_wait3A_199] : memref<10240x16xf32, #tpu.memory_space<vmem_shared>> -> memref<10240x16xf32, #tpu.memory_space<vmem_shared>>
      tpu.wait_indirect_dma semaphore(%arg16 : memref<!tpu.dma_semaphore, #tpu.memory_space<semaphore_mem>>) src(%arg9 : memref<128x16xf32, #tpu.memory_space<vmem>>) dst(%dma_wait3A_200 : memref<10240x16xf32, #tpu.memory_space<vmem_shared>>)
      %add3A_201 = arith.constant 4 : i32
      %add3A_202 = arith.addi %add3A_114, %add3A_201 : i32
      %add3A_203 = arith.constant 1 : i32
      %add3A_204 = arith.addi %add3A_202, %add3A_203 : i32
      %lt3A_205 = arith.constant 80 : i32
      %lt3A_206 = arith.cmpi slt, %add3A_204, %lt3A_205 : i32
      %convert_element_type3A_207 = arith.extui %lt3A_206 : i1 to i32
      %cond3A_208 = arith.constant 0 : i32
      %cond3A_209 = arith.cmpi ne, %convert_element_type3A_207, %cond3A_208 : i32
      scf.if %cond3A_209 {
        %add3A_244 = arith.constant 4 : i32
        %add3A_245 = arith.addi %add3A_114, %add3A_244 : i32
        %add3A_246 = arith.constant 1 : i32
        %add3A_247 = arith.addi %add3A_245, %add3A_246 : i32
        %dma_start3A_248 = arith.constant 0 : i32
        %dma_start3A_249 = tpu.memref_slice %arg6[%add3A_247, %dma_start3A_248] : memref<80x128xi32, #tpu.memory_space<vmem>> -> memref<1x128xi32, #tpu.memory_space<vmem>>
        %dma_start3A_250 = tpu.memref_squeeze %dma_start3A_249 : memref<1x128xi32, #tpu.memory_space<vmem>> -> memref<128xi32, #tpu.memory_space<vmem>>
        %dma_start3A_251 = arith.constant 0 : i32
        %dma_start3A_252 = arith.constant 0 : i32
        %dma_start3A_253 = tpu.memref_slice %arg12[%dma_start3A_251, %dma_start3A_252] : memref<10240x16xf32, #tpu.memory_space<vmem_shared>> -> memref<10240x16xf32, #tpu.memory_space<vmem_shared>>
        tpu.enqueue_indirect_dma source(%dma_start3A_253 : memref<10240x16xf32, #tpu.memory_space<vmem_shared>>) target(%arg9 : memref<128x16xf32, #tpu.memory_space<vmem>>) offsets(%dma_start3A_250 : memref<128xi32, #tpu.memory_space<vmem>>) semaphore(%arg15 : memref<!tpu.dma_semaphore, #tpu.memory_space<semaphore_mem>>)
      } else {
      }
      %add3A_210 = arith.constant 2 : i32
      %add3A_211 = arith.addi %add3A_114, %add3A_210 : i32
      %dma_wait3A_212 = arith.constant 0 : i32
      %dma_wait3A_213 = tpu.memref_slice %arg7[%add3A_211, %dma_wait3A_212] : memref<80x128xi32, #tpu.memory_space<vmem>> -> memref<1x128xi32, #tpu.memory_space<vmem>>
      %dma_wait3A_214 = tpu.memref_squeeze %dma_wait3A_213 : memref<1x128xi32, #tpu.memory_space<vmem>> -> memref<128xi32, #tpu.memory_space<vmem>>
      %dma_wait3A_215 = arith.constant 0 : i32
      %dma_wait3A_216 = arith.constant 0 : i32
      %dma_wait3A_217 = tpu.memref_slice %arg13[%dma_wait3A_215, %dma_wait3A_216] : memref<10240x16xf32, #tpu.memory_space<vmem_shared>> -> memref<10240x16xf32, #tpu.memory_space<vmem_shared>>
      tpu.wait_indirect_dma semaphore(%arg16 : memref<!tpu.dma_semaphore, #tpu.memory_space<semaphore_mem>>) src(%arg10 : memref<128x16xf32, #tpu.memory_space<vmem>>) dst(%dma_wait3A_217 : memref<10240x16xf32, #tpu.memory_space<vmem_shared>>)
      %add3A_218 = arith.constant 4 : i32
      %add3A_219 = arith.addi %add3A_114, %add3A_218 : i32
      %add3A_220 = arith.constant 2 : i32
      %add3A_221 = arith.addi %add3A_219, %add3A_220 : i32
      %lt3A_222 = arith.constant 80 : i32
      %lt3A_223 = arith.cmpi slt, %add3A_221, %lt3A_222 : i32
      %convert_element_type3A_224 = arith.extui %lt3A_223 : i1 to i32
      %cond3A_225 = arith.constant 0 : i32
      %cond3A_226 = arith.cmpi ne, %convert_element_type3A_224, %cond3A_225 : i32
      scf.if %cond3A_226 {
        %add3A_244 = arith.constant 4 : i32
        %add3A_245 = arith.addi %add3A_114, %add3A_244 : i32
        %add3A_246 = arith.constant 2 : i32
        %add3A_247 = arith.addi %add3A_245, %add3A_246 : i32
        %dma_start3A_248 = arith.constant 0 : i32
        %dma_start3A_249 = tpu.memref_slice %arg6[%add3A_247, %dma_start3A_248] : memref<80x128xi32, #tpu.memory_space<vmem>> -> memref<1x128xi32, #tpu.memory_space<vmem>>
        %dma_start3A_250 = tpu.memref_squeeze %dma_start3A_249 : memref<1x128xi32, #tpu.memory_space<vmem>> -> memref<128xi32, #tpu.memory_space<vmem>>
        %dma_start3A_251 = arith.constant 0 : i32
        %dma_start3A_252 = arith.constant 0 : i32
        %dma_start3A_253 = tpu.memref_slice %arg12[%dma_start3A_251, %dma_start3A_252] : memref<10240x16xf32, #tpu.memory_space<vmem_shared>> -> memref<10240x16xf32, #tpu.memory_space<vmem_shared>>
        tpu.enqueue_indirect_dma source(%dma_start3A_253 : memref<10240x16xf32, #tpu.memory_space<vmem_shared>>) target(%arg10 : memref<128x16xf32, #tpu.memory_space<vmem>>) offsets(%dma_start3A_250 : memref<128xi32, #tpu.memory_space<vmem>>) semaphore(%arg15 : memref<!tpu.dma_semaphore, #tpu.memory_space<semaphore_mem>>)
      } else {
      }
      %add3A_227 = arith.constant 3 : i32
      %add3A_228 = arith.addi %add3A_114, %add3A_227 : i32
      %dma_wait3A_229 = arith.constant 0 : i32
      %dma_wait3A_230 = tpu.memref_slice %arg7[%add3A_228, %dma_wait3A_229] : memref<80x128xi32, #tpu.memory_space<vmem>> -> memref<1x128xi32, #tpu.memory_space<vmem>>
      %dma_wait3A_231 = tpu.memref_squeeze %dma_wait3A_230 : memref<1x128xi32, #tpu.memory_space<vmem>> -> memref<128xi32, #tpu.memory_space<vmem>>
      %dma_wait3A_232 = arith.constant 0 : i32
      %dma_wait3A_233 = arith.constant 0 : i32
      %dma_wait3A_234 = tpu.memref_slice %arg13[%dma_wait3A_232, %dma_wait3A_233] : memref<10240x16xf32, #tpu.memory_space<vmem_shared>> -> memref<10240x16xf32, #tpu.memory_space<vmem_shared>>
      tpu.wait_indirect_dma semaphore(%arg16 : memref<!tpu.dma_semaphore, #tpu.memory_space<semaphore_mem>>) src(%arg11 : memref<128x16xf32, #tpu.memory_space<vmem>>) dst(%dma_wait3A_234 : memref<10240x16xf32, #tpu.memory_space<vmem_shared>>)
      %add3A_235 = arith.constant 4 : i32
      %add3A_236 = arith.addi %add3A_114, %add3A_235 : i32
      %add3A_237 = arith.constant 3 : i32
      %add3A_238 = arith.addi %add3A_236, %add3A_237 : i32
      %lt3A_239 = arith.constant 80 : i32
      %lt3A_240 = arith.cmpi slt, %add3A_238, %lt3A_239 : i32
      %convert_element_type3A_241 = arith.extui %lt3A_240 : i1 to i32
      %cond3A_242 = arith.constant 0 : i32
      %cond3A_243 = arith.cmpi ne, %convert_element_type3A_241, %cond3A_242 : i32
      scf.if %cond3A_243 {
        %add3A_244 = arith.constant 4 : i32
        %add3A_245 = arith.addi %add3A_114, %add3A_244 : i32
        %add3A_246 = arith.constant 3 : i32
        %add3A_247 = arith.addi %add3A_245, %add3A_246 : i32
        %dma_start3A_248 = arith.constant 0 : i32
        %dma_start3A_249 = tpu.memref_slice %arg6[%add3A_247, %dma_start3A_248] : memref<80x128xi32, #tpu.memory_space<vmem>> -> memref<1x128xi32, #tpu.memory_space<vmem>>
        %dma_start3A_250 = tpu.memref_squeeze %dma_start3A_249 : memref<1x128xi32, #tpu.memory_space<vmem>> -> memref<128xi32, #tpu.memory_space<vmem>>
        %dma_start3A_251 = arith.constant 0 : i32
        %dma_start3A_252 = arith.constant 0 : i32
        %dma_start3A_253 = tpu.memref_slice %arg12[%dma_start3A_251, %dma_start3A_252] : memref<10240x16xf32, #tpu.memory_space<vmem_shared>> -> memref<10240x16xf32, #tpu.memory_space<vmem_shared>>
        tpu.enqueue_indirect_dma source(%dma_start3A_253 : memref<10240x16xf32, #tpu.memory_space<vmem_shared>>) target(%arg11 : memref<128x16xf32, #tpu.memory_space<vmem>>) offsets(%dma_start3A_250 : memref<128xi32, #tpu.memory_space<vmem>>) semaphore(%arg15 : memref<!tpu.dma_semaphore, #tpu.memory_space<semaphore_mem>>)
      } else {
      }
    }
    %scan3A_104 = arith.constant 20 : i32
    %barrier3A_105 = arith.constant 0 : index
    tpu.barrier barrier_id(%barrier3A_105)
    %mul3A_106 = arith.constant 640 : i32
    %mul3A_107 = arith.muli %arg1, %mul3A_106 : i32
    %mul3A_108 = arith.constant 640 : i32
    %mul3A_109 = arith.muli %arg1, %mul3A_108 : i32
    "tpu.region"() ({
      %run_scoped3A = tpu.sem_alloc : memref<!tpu.dma_semaphore, #tpu.memory_space<semaphore_mem>>
      %dma_start3A_110 = arith.constant 0 : i32
      %dma_start3A_111 = arith.constant 0 : i32
      %dma_start3A_112 = tpu.memref_slice %arg5[%arg0, %dma_start3A_110, %dma_start3A_111] : memref<2x10240x16xf32, #tpu.memory_space<hbm>> -> memref<1x10240x16xf32, #tpu.memory_space<hbm>>
      %dma_start3A_113 = tpu.memref_squeeze %dma_start3A_112 : memref<1x10240x16xf32, #tpu.memory_space<hbm>> -> memref<10240x16xf32, #tpu.memory_space<hbm>>
      %dma_start3A_114 = arith.constant 0 : i32
      %dma_start3A_115 = tpu.memref_slice %dma_start3A_113[%mul3A_109, %dma_start3A_114] : memref<10240x16xf32, #tpu.memory_space<hbm>> -> memref<640x16xf32, #tpu.memory_space<hbm>>
      %dma_start3A_116 = arith.constant 0 : i32
      %dma_start3A_117 = tpu.memref_slice %arg13[%mul3A_107, %dma_start3A_116] : memref<10240x16xf32, #tpu.memory_space<vmem_shared>> -> memref<640x16xf32, #tpu.memory_space<vmem_shared>>
      tpu.enqueue_dma source(%dma_start3A_117 : memref<640x16xf32, #tpu.memory_space<vmem_shared>>) target(%dma_start3A_115 : memref<640x16xf32, #tpu.memory_space<hbm>>) target_semaphore(%run_scoped3A : memref<!tpu.dma_semaphore, #tpu.memory_space<semaphore_mem>>)
      %dma_wait3A_118 = arith.constant 0 : i32
      %dma_wait3A_119 = arith.constant 0 : i32
      %dma_wait3A_120 = tpu.memref_slice %arg5[%arg0, %dma_wait3A_118, %dma_wait3A_119] : memref<2x10240x16xf32, #tpu.memory_space<hbm>> -> memref<1x10240x16xf32, #tpu.memory_space<hbm>>
      %dma_wait3A_121 = tpu.memref_squeeze %dma_wait3A_120 : memref<1x10240x16xf32, #tpu.memory_space<hbm>> -> memref<10240x16xf32, #tpu.memory_space<hbm>>
      %dma_wait3A_122 = arith.constant 0 : i32
      %dma_wait3A_123 = tpu.memref_slice %dma_wait3A_121[%mul3A_109, %dma_wait3A_122] : memref<10240x16xf32, #tpu.memory_space<hbm>> -> memref<640x16xf32, #tpu.memory_space<hbm>>
      %dma_wait3A_124 = arith.constant 0 : i32
      %dma_wait3A_125 = tpu.memref_slice %arg13[%mul3A_107, %dma_wait3A_124] : memref<10240x16xf32, #tpu.memory_space<vmem_shared>> -> memref<640x16xf32, #tpu.memory_space<vmem_shared>>
      tpu.wait_dma2 semaphore(%run_scoped3A : memref<!tpu.dma_semaphore, #tpu.memory_space<semaphore_mem>>) src(%dma_wait3A_125 : memref<640x16xf32, #tpu.memory_space<vmem_shared>>) dst(%dma_wait3A_123 : memref<640x16xf32, #tpu.memory_space<hbm>>)
      tpu.yield
    }) : () -> ()
    return
  }
}

module attributes {stable_mosaic.version = 14 : i64} {
  func.func @_tc_head_body(%arg0: memref<1250x1024xf32, #tpu.memory_space<vmem>>, %arg1: memref<1024x128xf32, #tpu.memory_space<vmem>>, %arg2: memref<2x1280x8xf32, #tpu.memory_space<vmem>>, %arg3: memref<8x128xf32, #tpu.memory_space<vmem>>, %arg4: memref<1280x128xf32, #tpu.memory_space<vmem>>, %arg5: memref<1280x128xf32, #tpu.memory_space<vmem>>) attributes {dimension_semantics = [], scalar_prefetch = 0 : i64, scratch_operands = 0 : i64, tpu.core_type = #tpu.core_type<tc>} {
    %get3A = arith.constant 0 : index
    %get3A_0 = arith.constant 0 : index
    %get3A_1 = arith.constant 0 : index
    %get3A_2 = vector.load %arg2[%get3A, %get3A_0, %get3A_1] : memref<2x1280x8xf32, #tpu.memory_space<vmem>>, vector<1x1280x8xf32>
    %get3A_3 = vector.shape_cast %get3A_2 : vector<1x1280x8xf32> to vector<1280x8xf32>
    %get3A_4 = arith.constant 1 : index
    %get3A_5 = arith.constant 0 : index
    %get3A_6 = arith.constant 0 : index
    %get3A_7 = vector.load %arg2[%get3A_4, %get3A_5, %get3A_6] : memref<2x1280x8xf32, #tpu.memory_space<vmem>>, vector<1x1280x8xf32>
    %get3A_8 = vector.shape_cast %get3A_7 : vector<1x1280x8xf32> to vector<1280x8xf32>
    %add3A = arith.addf %get3A_3, %get3A_8 : vector<1280x8xf32>
    %add3A_9 = arith.constant 1.000000e+00 : f32
    %add3A_10 = vector.broadcast %add3A_9 : f32 to vector<1280x8xf32>
    %add3A_11 = arith.addf %add3A, %add3A_10 : vector<1280x8xf32>
    %sqrt3A = math.sqrt %add3A_11 : vector<1280x8xf32>
    %div3A = arith.constant 1.000000e+00 : f32
    %div3A_12 = vector.broadcast %div3A : f32 to vector<1280x8xf32>
    %div3A_13 = arith.divf %div3A_12, %sqrt3A : vector<1280x8xf32>
    %get3A_14 = arith.constant 0 : index
    %get3A_15 = arith.constant 0 : index
    %get3A_16 = vector.load %arg3[%get3A_14, %get3A_15] : memref<8x128xf32, #tpu.memory_space<vmem>>, vector<8x128xf32>
    %dot_general3A = arith.constant dense<0.000000e+00> : vector<1280x128xf32>
    %dot_general3A_17 = tpu.matmul %div3A_13, %get3A_16, %dot_general3A {dimension_numbers = #tpu.dot_dimension_numbers<[1], [0], [0], [1], [0, 0, 1, 1], [], []>, transpose_lhs_hint = false} : vector<1280x8xf32>, vector<8x128xf32>, vector<1280x128xf32> -> vector<1280x128xf32>
    %swap3A = arith.constant 0 : index
    %swap3A_18 = arith.constant 0 : index
    %swap3A_19 = vector.load %arg5[%swap3A, %swap3A_18] : memref<1280x128xf32, #tpu.memory_space<vmem>>, vector<1280x128xf32>
    tpu.vector_store %arg5[%swap3A, %swap3A_18], %dot_general3A_17 {strides = array<i32>} : memref<1280x128xf32, #tpu.memory_space<vmem>>, vector<1280x128xf32>,
    %get3A_20 = arith.constant 0 : index
    %get3A_21 = arith.constant 0 : index
    %get3A_22 = vector.load %arg0[%get3A_20, %get3A_21] : memref<1250x1024xf32, #tpu.memory_space<vmem>>, vector<1250x1024xf32>
    %get3A_23 = arith.constant 0 : index
    %get3A_24 = arith.constant 0 : index
    %get3A_25 = vector.load %arg1[%get3A_23, %get3A_24] : memref<1024x128xf32, #tpu.memory_space<vmem>>, vector<1024x128xf32>
    %dot_general3A_26 = arith.constant dense<0.000000e+00> : vector<1250x128xf32>
    %dot_general3A_27 = tpu.matmul %get3A_22, %get3A_25, %dot_general3A_26 {dimension_numbers = #tpu.dot_dimension_numbers<[1], [0], [0], [1], [0, 0, 1, 1], [], []>, transpose_lhs_hint = false} : vector<1250x1024xf32>, vector<1024x128xf32>, vector<1250x128xf32> -> vector<1250x128xf32>
    %slice3A = vector.extract_strided_slice %dot_general3A_17 {offsets = [0, 0], sizes = [1250, 128], strides = [1, 1]} : vector<1280x128xf32> to vector<1250x128xf32>
    %mul3A = arith.mulf %dot_general3A_27, %slice3A : vector<1250x128xf32>
    %swap3A_28 = arith.constant 0 : index
    %swap3A_29 = arith.constant 0 : index
    %swap3A_30 = vector.load %arg4[%swap3A_28, %swap3A_29] : memref<1280x128xf32, #tpu.memory_space<vmem>>, vector<1250x128xf32>
    tpu.vector_store %arg4[%swap3A_28, %swap3A_29], %mul3A {strides = array<i32>} : memref<1280x128xf32, #tpu.memory_space<vmem>>, vector<1250x128xf32>,
    %broadcast_in_dim3A = arith.constant 0.000000e+00 : f32
    %broadcast_in_dim3A_31 = vector.broadcast %broadcast_in_dim3A : f32 to vector<30x128xf32>
    %swap3A_32 = arith.constant 1250 : index
    %swap3A_33 = arith.constant 0 : index
    %swap3A_34 = vector.load %arg4[%swap3A_32, %swap3A_33] : memref<1280x128xf32, #tpu.memory_space<vmem>>, vector<30x128xf32>
    tpu.vector_store %arg4[%swap3A_32, %swap3A_33], %broadcast_in_dim3A_31 {strides = array<i32>} : memref<1280x128xf32, #tpu.memory_space<vmem>>, vector<30x128xf32>,
    return
  }
}

module attributes {stable_mosaic.version = 14 : i64} {
  func.func @_tc_mid_body(%arg0: memref<2x1280x128xf32, #tpu.memory_space<vmem>>, %arg1: memref<1280x128xf32, #tpu.memory_space<vmem>>, %arg2: memref<1280x128xf32, #tpu.memory_space<vmem>>, %arg3: memref<1x128xf32, #tpu.memory_space<vmem>>, %arg4: memref<1280x128xf32, #tpu.memory_space<vmem>>) attributes {dimension_semantics = [], scalar_prefetch = 0 : i64, scratch_operands = 0 : i64, tpu.core_type = #tpu.core_type<tc>} {
    %get3A = arith.constant 0 : index
    %get3A_0 = arith.constant 0 : index
    %get3A_1 = arith.constant 0 : index
    %get3A_2 = vector.load %arg0[%get3A, %get3A_0, %get3A_1] : memref<2x1280x128xf32, #tpu.memory_space<vmem>>, vector<1x1280x128xf32>
    %get3A_3 = vector.shape_cast %get3A_2 : vector<1x1280x128xf32> to vector<1280x128xf32>
    %get3A_4 = arith.constant 1 : index
    %get3A_5 = arith.constant 0 : index
    %get3A_6 = arith.constant 0 : index
    %get3A_7 = vector.load %arg0[%get3A_4, %get3A_5, %get3A_6] : memref<2x1280x128xf32, #tpu.memory_space<vmem>>, vector<1x1280x128xf32>
    %get3A_8 = vector.shape_cast %get3A_7 : vector<1x1280x128xf32> to vector<1280x128xf32>
    %add3A = arith.addf %get3A_3, %get3A_8 : vector<1280x128xf32>
    %get3A_9 = arith.constant 0 : index
    %get3A_10 = arith.constant 0 : index
    %get3A_11 = vector.load %arg2[%get3A_9, %get3A_10] : memref<1280x128xf32, #tpu.memory_space<vmem>>, vector<1280x128xf32>
    %get3A_12 = arith.constant 0 : index
    %get3A_13 = arith.constant 0 : index
    %get3A_14 = vector.load %arg1[%get3A_12, %get3A_13] : memref<1280x128xf32, #tpu.memory_space<vmem>>, vector<1280x128xf32>
    %add3A_15 = arith.addf %add3A, %get3A_14 : vector<1280x128xf32>
    %mul3A = arith.mulf %get3A_11, %add3A_15 : vector<1280x128xf32>
    %get3A_16 = arith.constant 0 : index
    %get3A_17 = arith.constant 0 : index
    %get3A_18 = vector.load %arg3[%get3A_16, %get3A_17] : memref<1x128xf32, #tpu.memory_space<vmem>>, vector<1x128xf32>
    %add3A_19 = vector.broadcast %get3A_18 : vector<1x128xf32> to vector<1280x128xf32>
    %add3A_20 = arith.addf %mul3A, %add3A_19 : vector<1280x128xf32>
    %get3A_21 = arith.constant 0 : index
    %get3A_22 = arith.constant 0 : index
    %get3A_23 = vector.load %arg2[%get3A_21, %get3A_22] : memref<1280x128xf32, #tpu.memory_space<vmem>>, vector<1280x128xf32>
    %max3A = arith.constant 0.000000e+00 : f32
    %max3A_24 = vector.broadcast %max3A : f32 to vector<1280x128xf32>
    %max3A_25 = arith.maximumf %add3A_20, %max3A_24 : vector<1280x128xf32>
    %mul3A_26 = arith.mulf %get3A_23, %max3A_25 : vector<1280x128xf32>
    %slice3A = vector.extract_strided_slice %mul3A_26 {offsets = [0, 0], sizes = [1250, 128], strides = [1, 1]} : vector<1280x128xf32> to vector<1250x128xf32>
    %swap3A = arith.constant 0 : index
    %swap3A_27 = arith.constant 0 : index
    %swap3A_28 = vector.load %arg4[%swap3A, %swap3A_27] : memref<1280x128xf32, #tpu.memory_space<vmem>>, vector<1250x128xf32>
    tpu.vector_store %arg4[%swap3A, %swap3A_27], %slice3A {strides = array<i32>} : memref<1280x128xf32, #tpu.memory_space<vmem>>, vector<1250x128xf32>,
    %broadcast_in_dim3A = arith.constant 0.000000e+00 : f32
    %broadcast_in_dim3A_29 = vector.broadcast %broadcast_in_dim3A : f32 to vector<30x128xf32>
    %swap3A_30 = arith.constant 1250 : index
    %swap3A_31 = arith.constant 0 : index
    %swap3A_32 = vector.load %arg4[%swap3A_30, %swap3A_31] : memref<1280x128xf32, #tpu.memory_space<vmem>>, vector<30x128xf32>
    tpu.vector_store %arg4[%swap3A_30, %swap3A_31], %broadcast_in_dim3A_29 {strides = array<i32>} : memref<1280x128xf32, #tpu.memory_space<vmem>>, vector<30x128xf32>,
    return
  }
}

module attributes {stable_mosaic.version = 14 : i64} {
  func.func @_tc_final_body(%arg0: memref<2x1280x128xf32, #tpu.memory_space<vmem>>, %arg1: memref<1280x128xf32, #tpu.memory_space<vmem>>, %arg2: memref<1280x128xf32, #tpu.memory_space<vmem>>, %arg3: memref<128x16xf32, #tpu.memory_space<vmem>>, %arg4: memref<1x16xf32, #tpu.memory_space<vmem>>, %arg5: memref<1280x16xf32, #tpu.memory_space<vmem>>) attributes {dimension_semantics = [], scalar_prefetch = 0 : i64, scratch_operands = 0 : i64, tpu.core_type = #tpu.core_type<tc>} {
    %get3A = arith.constant 0 : index
    %get3A_0 = arith.constant 0 : index
    %get3A_1 = vector.load %arg2[%get3A, %get3A_0] : memref<1280x128xf32, #tpu.memory_space<vmem>>, vector<1280x128xf32>
    %get3A_2 = arith.constant 0 : index
    %get3A_3 = arith.constant 0 : index
    %get3A_4 = arith.constant 0 : index
    %get3A_5 = vector.load %arg0[%get3A_2, %get3A_3, %get3A_4] : memref<2x1280x128xf32, #tpu.memory_space<vmem>>, vector<1x1280x128xf32>
    %get3A_6 = vector.shape_cast %get3A_5 : vector<1x1280x128xf32> to vector<1280x128xf32>
    %get3A_7 = arith.constant 1 : index
    %get3A_8 = arith.constant 0 : index
    %get3A_9 = arith.constant 0 : index
    %get3A_10 = vector.load %arg0[%get3A_7, %get3A_8, %get3A_9] : memref<2x1280x128xf32, #tpu.memory_space<vmem>>, vector<1x1280x128xf32>
    %get3A_11 = vector.shape_cast %get3A_10 : vector<1x1280x128xf32> to vector<1280x128xf32>
    %add3A = arith.addf %get3A_6, %get3A_11 : vector<1280x128xf32>
    %get3A_12 = arith.constant 0 : index
    %get3A_13 = arith.constant 0 : index
    %get3A_14 = vector.load %arg1[%get3A_12, %get3A_13] : memref<1280x128xf32, #tpu.memory_space<vmem>>, vector<1280x128xf32>
    %add3A_15 = arith.addf %add3A, %get3A_14 : vector<1280x128xf32>
    %mul3A = arith.mulf %get3A_1, %add3A_15 : vector<1280x128xf32>
    %get3A_16 = arith.constant 0 : index
    %get3A_17 = arith.constant 0 : index
    %get3A_18 = vector.load %arg3[%get3A_16, %get3A_17] : memref<128x16xf32, #tpu.memory_space<vmem>>, vector<128x16xf32>
    %dot_general3A = arith.constant dense<0.000000e+00> : vector<1280x16xf32>
    %dot_general3A_19 = tpu.matmul %mul3A, %get3A_18, %dot_general3A {dimension_numbers = #tpu.dot_dimension_numbers<[1], [0], [0], [1], [0, 0, 1, 1], [], []>, transpose_lhs_hint = false} : vector<1280x128xf32>, vector<128x16xf32>, vector<1280x16xf32> -> vector<1280x16xf32>
    %get3A_20 = arith.constant 0 : index
    %get3A_21 = arith.constant 0 : index
    %get3A_22 = vector.load %arg4[%get3A_20, %get3A_21] : memref<1x16xf32, #tpu.memory_space<vmem>>, vector<1x16xf32>
    %add3A_23 = vector.broadcast %get3A_22 : vector<1x16xf32> to vector<1280x16xf32>
    %add3A_24 = arith.addf %dot_general3A_19, %add3A_23 : vector<1280x16xf32>
    %iota3A = tpu.iota {dimensions = array<i32: 1>} : vector<1x16xi32>
    %jit3A = arith.constant 2 : i32
    %eq3A = arith.constant 0 : i32
    %eq3A_25 = arith.cmpi eq, %jit3A, %eq3A : i32
    %jit3A_26 = arith.constant 1 : i32
    %select_n3A = arith.select %eq3A_25, %jit3A_26, %jit3A : i32
    %rem3A = vector.broadcast %select_n3A : i32 to vector<1x16xi32>
    %rem3A_27 = arith.remsi %iota3A, %rem3A : vector<1x16xi32>
    %ne3A = arith.constant 0 : i32
    %ne3A_28 = vector.broadcast %ne3A : i32 to vector<1x16xi32>
    %ne3A_29 = arith.cmpi ne, %rem3A_27, %ne3A_28 : vector<1x16xi32>
    %lt3A = arith.constant 0 : i32
    %lt3A_30 = vector.broadcast %lt3A : i32 to vector<1x16xi32>
    %lt3A_31 = arith.cmpi slt, %rem3A_27, %lt3A_30 : vector<1x16xi32>
    %lt3A_32 = arith.constant 0 : i32
    %lt3A_33 = arith.cmpi slt, %select_n3A, %lt3A_32 : i32
    %ne3A_34 = vector.broadcast %lt3A_33 : i1 to vector<1x16xi1>
    %ne3A_35 = vector.broadcast %ne3A_34 : vector<1x16xi1> to vector<1x16xi1>
    %ne3A_36 = arith.xori %lt3A_31, %ne3A_35 : vector<1x16xi1>
    %and3A = arith.andi %ne3A_36, %ne3A_29 : vector<1x16xi1>
    %add3A_37 = vector.broadcast %select_n3A : i32 to vector<1x16xi32>
    %add3A_38 = arith.addi %rem3A_27, %add3A_37 : vector<1x16xi32>
    %select_n3A_39 = arith.select %and3A, %add3A_38, %rem3A_27 : vector<1x16xi1>, vector<1x16xi32>
    %eq3A_40 = arith.constant 0 : i32
    %eq3A_41 = vector.broadcast %eq3A_40 : i32 to vector<1x16xi32>
    %eq3A_42 = arith.cmpi eq, %select_n3A_39, %eq3A_41 : vector<1x16xi32>
    %slice3A = vector.extract_strided_slice %add3A_24 {offsets = [0, 1], sizes = [1280, 15], strides = [1, 1]} : vector<1280x16xf32> to vector<1280x15xf32>
    %slice3A_43 = vector.extract_strided_slice %add3A_24 {offsets = [0, 0], sizes = [1280, 1], strides = [1, 1]} : vector<1280x16xf32> to vector<1280x1xf32>
    %concatenate3A = tpu.concatenate %slice3A, %slice3A_43 in 1 : vector<1280x15xf32>, vector<1280x1xf32> -> vector<1280x16xf32>
    %slice3A_44 = vector.extract_strided_slice %add3A_24 {offsets = [0, 15], sizes = [1280, 1], strides = [1, 1]} : vector<1280x16xf32> to vector<1280x1xf32>
    %slice3A_45 = vector.extract_strided_slice %add3A_24 {offsets = [0, 0], sizes = [1280, 15], strides = [1, 1]} : vector<1280x16xf32> to vector<1280x15xf32>
    %concatenate3A_46 = tpu.concatenate %slice3A_44, %slice3A_45 in 1 : vector<1280x1xf32>, vector<1280x15xf32> -> vector<1280x16xf32>
    %broadcast_in_dim3A = vector.shape_cast %eq3A_42 : vector<1x16xi1> to vector<1x16xi1>
    %broadcast_in_dim3A_47 = vector.broadcast %broadcast_in_dim3A : vector<1x16xi1> to vector<1280x16xi1>
    %select_n3A_48 = arith.select %broadcast_in_dim3A_47, %concatenate3A, %concatenate3A_46 : vector<1280x16xi1>, vector<1280x16xf32>
    %max3A = arith.maximumf %add3A_24, %select_n3A_48 : vector<1280x16xf32>
    %sub3A = arith.subf %add3A_24, %max3A : vector<1280x16xf32>
    %exp3A = math.exp %sub3A : vector<1280x16xf32>
    %slice3A_49 = vector.extract_strided_slice %exp3A {offsets = [0, 1], sizes = [1280, 15], strides = [1, 1]} : vector<1280x16xf32> to vector<1280x15xf32>
    %slice3A_50 = vector.extract_strided_slice %exp3A {offsets = [0, 0], sizes = [1280, 1], strides = [1, 1]} : vector<1280x16xf32> to vector<1280x1xf32>
    %concatenate3A_51 = tpu.concatenate %slice3A_49, %slice3A_50 in 1 : vector<1280x15xf32>, vector<1280x1xf32> -> vector<1280x16xf32>
    %slice3A_52 = vector.extract_strided_slice %exp3A {offsets = [0, 15], sizes = [1280, 1], strides = [1, 1]} : vector<1280x16xf32> to vector<1280x1xf32>
    %slice3A_53 = vector.extract_strided_slice %exp3A {offsets = [0, 0], sizes = [1280, 15], strides = [1, 1]} : vector<1280x16xf32> to vector<1280x15xf32>
    %concatenate3A_54 = tpu.concatenate %slice3A_52, %slice3A_53 in 1 : vector<1280x1xf32>, vector<1280x15xf32> -> vector<1280x16xf32>
    %broadcast_in_dim3A_55 = vector.shape_cast %eq3A_42 : vector<1x16xi1> to vector<1x16xi1>
    %broadcast_in_dim3A_56 = vector.broadcast %broadcast_in_dim3A_55 : vector<1x16xi1> to vector<1280x16xi1>
    %select_n3A_57 = arith.select %broadcast_in_dim3A_56, %concatenate3A_51, %concatenate3A_54 : vector<1280x16xi1>, vector<1280x16xf32>
    %add3A_58 = arith.addf %exp3A, %select_n3A_57 : vector<1280x16xf32>
    %log3A = math.log %add3A_58 : vector<1280x16xf32>
    %add3A_59 = arith.addf %max3A, %log3A : vector<1280x16xf32>
    %sub3A_60 = arith.subf %add3A_24, %add3A_59 : vector<1280x16xf32>
    %swap3A = arith.constant 0 : index
    %swap3A_61 = arith.constant 0 : index
    %swap3A_62 = vector.load %arg5[%swap3A, %swap3A_61] : memref<1280x16xf32, #tpu.memory_space<vmem>>, vector<1280x16xf32>
    tpu.vector_store %arg5[%swap3A, %swap3A_61], %sub3A_60 {strides = array<i32>} : memref<1280x16xf32, #tpu.memory_space<vmem>>, vector<1280x16xf32>,
    return
  }
}

</mosaic_0001>

<sc_bundles>
// kernel: kernel.11.cloned.1.call-start
scs
__scs_entry_jumppad:
0x0: {  	(pc) =	sbr.rel $0x88, $3  }
0x1: {  	(tag) =	ssettag $0x0;
	lr =	simm.s32 $0x1  }
0x2: {  	[smem:$0x3F9B] =	sst lr;
	_ =	strace $0xD0000000  }
0x3: {  	_ = 	snop  }
0x4: {  	_ = 	snop  }
0x5: {  	_ = 	snop  }
0x6: {  	_ = 	snop  }
0x7: {  	_ = 	snop  }
__scs_overlays_trampoline_lowered:
0x8: {  	[smem:$0x3FAA] =	sst s0  }
0x9: {  	[smem:$0x3FAB] =	sst s1  }
0xa: {  	[smem:$0x3FAC] =	sst s2  }
0xb: {  	[smem:$0x3FAD] =	sst s3  }
0xc: {  	[smem:$0x3FAE] =	sst s4  }
0xd: {  	[smem:$0x3FAF] =	sst s5  }
0xe: {  	[smem:$0x3FB0] =	sst s6  }
0xf: {  	[smem:$0x3FB1] =	sst s7  }
0x10: {  	[smem:$0x3FB2] =	sst s8  }
0x11: {  	[smem:$0x3FB3] =	sst s9;
	s0 =	simm.s32 @!p0 $0x0  }
0x12: {  	s1 =	sld [smem:$0x3F99];
	s0 =	simm.s32 @p0 $0x1  }
0x13: {  	[smem:$0x3FB4] =	sst s0;
	s0 =	simm.s32 @!p1 $0x0  }
0x14: {  	s2 =	sld [smem:$0x3F98];
	s0 =	simm.s32 @p1 $0x1  }
0x15: {  	[smem:$0x3FB5] =	sst s0;
	s0 =	simm.s32 @!p2 $0x0  }
0x16: {  	s3 =	sld [smem:$0x3FDB];
	s0 =	simm.s32 @p2 $0x1  }
0x17: {  	s4 =	simm.s32 $0x1BF5;
	[smem:$0x3FB7] =	sst s0  }
0x18: {  	s0 =	sld [smem:$0x3F9A];
	_ =	swait.ge [sflag:s4], $0x0  }
0x19: {  	s7 =	sld [smem:$0x3F9B]  }
0x1a: {  	s8 =	sadd.s32 $0xFFFFE003, lr  }
0x1b: {  	s9 =	sadd.s32 $0xFFFFFEF7, lr;
	s5 =	simm.s32 $0xFFFFFFFF;
	p2 =	slt.u32 s8, $0xFFFFF086  }
0x1c: {  	p1 =	slt.u32 s9, $0xF7A;
	s5 =	simm.s32 @!p2 $0x0  }
0x1d: {  	s5 =	simm.s32 @p1 $0x1;
	p0 =	seq.s32 s7, s2  }
0x1e: {  	s7 =	smul.u32 @!p0 $0xF7A, s2;
	p2 =	seq.s32 @!p0 s5, $0x0  }
0x1f: {  	s9 =	smul.u32 $0xF7A, s1;
	s8 =	simm.s32 @!p0 $0x1BF5;
	p2 =	por !p2, p0  }
0x20: {  	[sflag:s8] =	ssyncset.s32 @!p0 $0xFFFFF086;
	s6 =	sadd.s32 @!p0 s3, s7;
	s7 =	simm.s32 @!p0 $0x108  }
0x21: {  	s3 =	sadd.s32 s3, s9;
	s6 =	sadd.s32 @!p0 $0x88, s6;
	s7 =	simm.s32 @p2 $0x1082  }
0x22: {  	[simem:s7], [sflag:s8] =	dma.local @!p0 [hbm:s6], $0xF7A  }
0x23: {  	s9 =	sor.u32 $0xD0000000, s2;
	s6 =	simm.s32 $0x108;
	_ =	swait.ge @!p0 [sflag:s8], $0x0  }
0x24: {  	s3 =	sadd.s32 $0x88, s3;
	s6 =	simm.s32 @!p1 $0x1082;
	[sflag:s4] =	ssyncset.s32 $0xFFFFF086  }
0x25: {  	[simem:s6], [sflag:s4] =	dma.local [hbm:s3], $0xF7A  }
0x26: {  	[smem:$0x3F9B] =	sst s1;
	(tag) =	ssettag s2;
	_ =	strace s9  }
0x27: {  	s1 =	sld [smem:$0x3FAB]  }
0x28: {  	s2 =	sld [smem:$0x3FAC]  }
0x29: {  	s4 =	sld [smem:$0x3FAE]  }
0x2a: {  	p0 =	seq.s32 s5, $0x0;
	s5 =	sld [smem:$0x3FAF]  }
0x2b: {  	s6 =	sld [smem:$0x3FB0]  }
0x2c: {  	s7 =	sld [smem:$0x3FB1]  }
0x2d: {  	s3 =	simm.s32 $0x108;
	s8 =	sld [smem:$0x3FB2]  }
0x2e: {  	s3 =	simm.s32 @!p0 $0x1082;
	s9 =	sld [smem:$0x3FB3]  }
0x2f: {  	lr =	sadd.s32 s0, s3;
	s0 =	sld [smem:$0x3FAA]  }
0x30: {  	s3 =	sld [smem:$0x3FAD]  }
0x31: {  	[smem:$0x3FB6] =	sst s10  }
0x32: {  	s10 =	sld [smem:$0x3FB4];
	_ =	sdelay $0x3  }
0x33: {  	p0 =	seq.s32 s10, $0x1;
	s10 =	sld [smem:$0x3FB6];
	_ =	sdelay $0x3  }
0x34: {  	[smem:$0x3FB6] =	sst s10  }
0x35: {  	s10 =	sld [smem:$0x3FB5];
	_ =	sdelay $0x3  }
0x36: {  	p1 =	seq.s32 s10, $0x1;
	s10 =	sld [smem:$0x3FB6];
	_ =	sdelay $0x3  }
0x37: {  	[smem:$0x3FB6] =	sst s10  }
0x38: {  	s10 =	sld [smem:$0x3FB7]  }
0x39: {  	_ = 	snop;
	(pc) =	sbr.ind lr, $3  }
0x3a: {  	_ = 	snop  }
0x3b: {  	_ = 	snop  }
0x3c: {  	p2 =	seq.s32 s10, $0x1;
	s10 =	sld [smem:$0x3FB6]  }
0x3d: {  	_ =	shalt  }
0x3e: {  	_ =	shalt  }
0x3f: {  	_ =	shalt  }
0x40: {  	_ =	shalt  }
0x41: {  	_ =	shalt  }
0x42: {  	_ =	shalt  }
0x43: {  	_ =	shalt  }
0x44: {  	_ =	shalt  }
0x45: {  	_ =	shalt  }
0x46: {  	_ =	shalt  }
0x47: {  	_ =	shalt  }
0x48: {  	_ =	shalt  }
0x49: {  	_ =	shalt  }
0x4a: {  	_ =	shalt  }
0x4b: {  	_ =	shalt  }
0x4c: {  	_ =	shalt  }
0x4d: {  	_ =	shalt  }
0x4e: {  	_ =	shalt  }
0x4f: {  	_ =	shalt  }
0x50: {  	_ =	shalt  }
0x51: {  	_ =	shalt  }
0x52: {  	_ =	shalt  }
0x53: {  	_ =	shalt  }
0x54: {  	_ =	shalt  }
0x55: {  	_ =	shalt  }
0x56: {  	_ =	shalt  }
0x57: {  	_ =	shalt  }
0x58: {  	_ =	shalt  }
0x59: {  	_ =	shalt  }
0x5a: {  	_ =	shalt  }
0x5b: {  	_ =	shalt  }
0x5c: {  	_ =	shalt  }
0x5d: {  	_ =	shalt  }
0x5e: {  	_ =	shalt  }
0x5f: {  	_ =	shalt  }
0x60: {  	_ =	shalt  }
0x61: {  	_ =	shalt  }
0x62: {  	_ =	shalt  }
0x63: {  	_ =	shalt  }
0x64: {  	_ =	shalt  }
0x65: {  	_ =	shalt  }
0x66: {  	_ =	shalt  }
0x67: {  	_ =	shalt  }
0x68: {  	_ =	shalt  }
0x69: {  	_ =	shalt  }
0x6a: {  	_ =	shalt  }
0x6b: {  	_ =	shalt  }
0x6c: {  	_ =	shalt  }
0x6d: {  	_ =	shalt  }
0x6e: {  	_ =	shalt  }
0x6f: {  	_ =	shalt  }
0x70: {  	_ =	shalt  }
0x71: {  	_ =	shalt  }
0x72: {  	_ =	shalt  }
0x73: {  	_ =	shalt  }
0x74: {  	_ =	shalt  }
0x75: {  	_ =	shalt  }
0x76: {  	_ =	shalt  }
0x77: {  	_ =	shalt  }
0x78: {  	_ =	shalt  }
0x79: {  	_ =	shalt  }
0x7a: {  	_ =	shalt  }
0x7b: {  	_ =	shalt  }
0x7c: {  	_ =	shalt  }
0x7d: {  	_ =	shalt  }
0x7e: {  	_ =	shalt  }
0x7f: {  	_ =	shalt  }
0x80: {  	_ =	shalt  }
0x81: {  	_ =	shalt  }
0x82: {  	_ =	shalt  }
0x83: {  	_ =	shalt  }
0x84: {  	_ =	shalt  }
0x85: {  	_ =	shalt  }
0x86: {  	_ =	shalt  }
0x87: {  	_ =	shalt  }
.Lfunc_end0:
.L_simem_size_0:
called_computation.1_lowered:
.L_overlay_start_0:
0x88: {  	s2 =	sld [smem:$0x3FD9]  }
0x89: {  	s3 =	sld [smem:$0x3FFE];
	_ =	sdelay $0x1  }
0x8a: {  	s1 =	srdreg.scid  }
0x8b: {  	s0 =	sand.u32 $0x1, s1  }
0x8c: {  	s17 =	sshll.u32 s0, $0xA;
	s2 =	sadd.s32 s3, s2  }
0x8d: {  	s2 =	sadd.s32 s2, s17  }
0x8e: {  	[smem:$0x3FC2] =	sst s2  }
0x8f: {  	_ = 	snop  }
0x90: {  	s2 =	sld [smem:$0x3FD0];
	(tm) =	ssettm $0x1  }
0x91: {  	s18 =	sld [smem:$0x3FFB];
	_ =	sdelay $0x3  }
0x92: {  	_ =	strace s18  }
0x93: {  	s3 =	sld [smem:$0x3FFC];
	_ =	sdelay $0x3  }
0x94: {  	_ =	strace s3  }
0x95: {  	s3 =	sld [smem:$0x3FFD];
	_ =	sdelay $0x3  }
0x96: {  	_ =	strace s3  }
0x97: {  	_ =	strace $0x8FFFFFFF  }
0x98: {  	s19 =	sld [smem:$0x3FDB];
	_ =	sdelay $0x1  }
0x99: {  	s4 =	simm.s32 $_scs_section_size  }
0x9a: {  	s5 =	simm.s32 $_size__tile_overlayer_lowered;
	s6 =	simm.s32 $_tile_overlayer_lowered  }
0x9b: {  	s22 =	simm.s32 $0x1BFF;
	s21 =	sshll.u32 s6, $0x1;
	s3 =	sadd.s32 s4, s19  }
0x9c: {  	s7 =	simm.s32 $0x0;
	s20 =	sshll.u32 s5, $0x1;
	s5 =	sadd.s32 s21, s3  }
0x9d: {  	[timem:s7], [sflag:s22] =	dma.local [hbm:s5], s20  }
0x9e: {  	_ =	swait.ge [sflag:s22], s20  }
0x9f: {  	s4 =	ssub.s32 $0x0, s20;
	[sflag:s22] =	ssyncset.done $0x0  }
0xa0: {  	[sflag:s22] =	ssyncadd.s32 s4;
	_ =	sdelay $0x1  }
0xa1: {  	s23 =	simm.s32 $0x1B8B  }
0xa2: {  	_ =	swait.ge [sflag:s23], $0x1  }
0xa3: {  	[sflag:s23] =	ssyncset.done $0x0  }
0xa4: {  	s25 =	simm.s32 $0x1B8E;
	s24 =	sld [smem:$0x3FFE];
	[sflag:s23] =	ssyncadd.s32 $0xFFFFFFFF  }
0xa5: {  	s26 =	simm.s32 $execute0_lowered;
	[smem:$0x3FD2] =	sst s25  }
0xa6: {  	s5 =	sshll.u32 s26, $0x1;
	_ =	strace $0x80000049;
	[dreg:$0x1] =	wrdreg $0xFFFFFFFF  }
0xa7: {  	s28 =	simm.s32 $_size_execute0_lowered;
	s3 =	sadd.s32 s3, s5;
	[dreg:$0x0] =	wrdreg $0x0  }
0xa8: {  	s5 =	sshll.u32 s28, $0x1;
	[dreg:$0x2] =	wrdreg s3  }
0xa9: {  	[dreg:$0x3] =	wrdreg s5  }
0xaa: {  	[dreg:$0x4] =	wrdreg $0xC0  }
0xab: {  	_ =	task [dreg:s7], $0x5FFFF  }
0xac: {  	[dreg:$0x1] =	wrdreg $0xFFFFFFFF  }
0xad: {  	[dreg:$0x0] =	wrdreg $0x60  }
0xae: {  	[dreg:$0x2] =	wrdreg s24  }
0xaf: {  	[dreg:$0x3] =	wrdreg s2  }
0xb0: {  	[dreg:$0x4] =	wrdreg $0x70000  }
0xb1: {  	[dreg:$0x5] =	wrdreg $0x98000  }
0xb2: {  	[dreg:$0x6] =	wrdreg $0x9  }
0xb3: {  	_ =	task.clear_ibuf [dreg:s7], $0x7FFFF;
	_ =	strace $0x90000049  }
0xb4: {  	s29 =	simm.s32 $0x9;
	_ =	strace $0x8000004B  }
0xb5: {  	_ =	swait.ge [sflag:s29], $0x1  }
0xb6: {  	[sflag:s29] =	ssyncadd.s32 $0xFFFFFFFF  }
0xb7: {  	_ =	strace $0x9000004B  }
0xb8: {  	_ =	sfence  }
0xb9: {  	s30 =	sld [smem:$0x0];
	_ =	sdelay $0x2  }
0xba: {  	s31 =	sshll.u32 s1, $0xD;
	s1 =	sshrl.u32 s1, $0x2  }
0xbb: {  	s3 =	sand.u32 $0x4000, s31;
	s1 =	sadd.s32 s1, s30  }
0xbc: {  	s0 =	sor.u32 s3, s0;
	s1 =	sshll.u32 s1, $0x11  }
0xbd: {  	s0 =	sor.u32 s1, s0  }
0xbe: {  	s0 =	sadd.s32 $0x8F2B, s0  }
0xbf: {  	[sflag:s0] =	ssyncadd.remote.s32 $0x1  }
0xc0: {  	_ =	sfence.sel $0xFFFF  }
0xc1: {  	[dreg:$0x0] =	wrdreg $0xFFFFFFFF;
	(pc) =	sbr.abs _section_cstart, $3  }
0xc2: {  	[dreg:$0x1] =	wrdreg $0xFFFFFFFF  }
0xc3: {  	_ =	task.clear_ibuf [dreg:s7], $0x2FFFF;
	_ =	strace $0x9FFFFFFF  }
0xc4: {  	(tm) =	ssettm $0x7FFFFFFF  }
0xc5: {  	_ =	shalt  }
tec
execute0_lowered:
.L_overlay_start_1:
0x0: {  	(tag) =	ssettag $0x1  }
0x1: {  	s0 =	rddreg [dreg:$0x0]  }
0x2: {  	s2 =	rddreg [dreg:$0x2];
	s1 =	srdreg.scid  }
0x3: {  	s4 =	rddreg [dreg:$0x3];
	s13 =	stileid.u32  }
0x4: {  	s5 =	simm.s32 $0x0;
	s15 =	simm.s32 $0x1;
	s16 =	simm.s32 $0x80  }
0x5: {  	s17 =	simm.s32 $0x5000;
	s18 =	simm.s32 $0x5800;
	s19 =	simm.s32 $0x100  }
0x6: {  	s20 =	simm.s32 $0x6000;
	s21 =	simm.s32 $0x180;
	s22 =	simm.s32 $0x6800  }
0x7: {  	s23 =	simm.s32 $0x2;
	s28 =	simm.s32 $0x4E80;
	s29 =	simm.s32 $0x4F00  }
0x8: {  	s30 =	simm.s32 $0x4F80;
	s31 =	simm.s32 $0x4;
	s1 =	sand.u32 $0x1, s1  }
0x9: {  	s9 =	smul.u32 $0x2800, s13;
	[smem:$0x7FF] =	sst s5;
	s3 =	sshll.u32 s1, $0x4  }
0xa: {  	s6 =	smul.u32 $0x5000, s1;
	s1 =	ssub.s32 $0x2, s1;
	_ =	strace $0x8000004A  }
0xb: {  	s3 =	sor.u32 s13, s3;
	s24 =	sshrl.u32 s9, $0x3;
	s8 =	sshrl.u32 s1, $0x1  }
0xc: {  	s12 =	sadd.s32 s9, s2;
	s26 =	sadd.s32 s9, s4;
	s3 =	smul.u32 $0x500, s3  }
0xd: {  	s7 =	sadd.s32 s24, s0;
	s11 =	sadd.s32 s6, s0;
	s1 =	ssub.s32 s1, s8  }
0xe: {  	s6 =	sadd.s32 $0x16A00, s7;
	s7 =	sshll.u32 s13, $0x6;
	s25 =	sadd.s32 $0x1BA00, s11  }
0xf: {  	s11 =	sshrl.u32 s12, $0x3;
	s12 =	sshrl.u32 s26, $0x3;
	s26 =	simm.s32 $0x4E00  }
0x10: {  	s10 =	sadd.s32 s3, s0;
	s8 =	sor.u32 $0x1C01, s7;
	s0 =	sadd.s32 $0xCA00, s0  }
0x11: {  	s24 =	sadd.s32 s24, s25;
	s25 =	simm.s32 $0x3;
	s9 =	sadd.s32 $0x2A00, s10  }
0x12: {  	s10 =	smax.u32 s1, $0x1;
	s13 =	sadd.s32 s3, s0;
	s0 =	simm.s32 $0x0  }
.LBB2_1:
0x13: {  	[spmem:s11], [sflag:s8] =	dma.local [hbm:s6], $0x500  }
0x14: {  	s1 =	rddreg [dreg:$0x1]  }
0x15: {  	[spmem:s12], [sflag:s8] =	dma.local [hbm:s1], $0x500  }
0x16: {  	[tilespmem:s5], [sflag:$0x1] =	stream.linear.gather [hbm4b:s9+s5], $0x2800, $0x38;
	[tilespmem:$0xC000] =	vst v63  }
0x17: {  	s3 =	simm.s32 $0x2800  }
0x18: {  	[tilespmem:s3], [sflag:$0x1] =	stream.linear.gather [hbm4b:s13+s5], $0x2800, $0x38;
	[tilespmem:$0xC000] =	vst v63  }
0x19: {  	_ =	swait.ge [sflag:s15], $0x500  }
0x1a: {  	[sflag:s15] =	ssyncset.done $0x0  }
0x1b: {  	[sflag:s15] =	ssyncadd.s32 $0xFFFFFB00  }
0x1c: {  	_ =	swait.ge [sflag:s15], $0x500  }
0x1d: {  	[sflag:s15] =	ssyncset.done $0x0  }
0x1e: {  	[sflag:s15] =	ssyncadd.s32 $0xFFFFFB00  }
0x1f: {  	_ =	swait.ge [sflag:s15], $0x2800  }
0x20: {  	[sflag:s15] =	ssyncset.done $0x0  }
0x21: {  	[sflag:s15] =	ssyncadd.s32 $0xFFFFD800  }
0x22: {  	_ =	swait.ge [sflag:s15], $0x2800  }
0x23: {  	[sflag:s15] =	ssyncset.done $0x0  }
0x24: {  	[sflag:s15] =	ssyncadd.s32 $0xFFFFD800  }
0x25: {  	[bflag:$0x0] =	sbarrier.arrive $0xFFFF  }
0x26: {  	[tilespmem:s17], [sflag:$0x2] =	stream.indirect.gather [spmem:s2], $0x10, s5, s16, $0xb8;
	[tilespmem:$0xC000] =	vst v63  }
0x27: {  	_ = 	snop  }
0x28: {  	[tilespmem:s18], [sflag:$0x2] =	stream.indirect.gather [spmem:s2], $0x10, s16, s16, $0xb8;
	[tilespmem:$0xC000] =	vst v63  }
0x29: {  	_ = 	snop  }
0x2a: {  	[tilespmem:s20], [sflag:$0x2] =	stream.indirect.gather [spmem:s2], $0x10, s19, s16, $0xb8;
	[tilespmem:$0xC000] =	vst v63  }
0x2b: {  	_ = 	snop  }
0x2c: {  	[tilespmem:s22], [sflag:$0x2] =	stream.indirect.gather [spmem:s2], $0x10, s21, s16, $0xb8;
	[tilespmem:$0xC000] =	vst v63  }
0x2d: {  	_ =	swait.ge [sflag:s23], $0x800  }
0x2e: {  	[sflag:s23] =	ssyncset.done $0x0  }
0x2f: {  	s14 =	simm.s32 $0x2800;
	[sflag:s23] =	ssyncadd.s32 $0xFFFFF800  }
0x30: {  	[spmem:s4] =	stream.indirect.scatter.add.f32 [tilespmem:s17], [sflag:$0x3], $0x10, s14, s16, $0xb8;
	[tilespmem:$0xC000] =	vst v63  }
0x31: {  	_ =	swait.ge [sflag:s23], $0x800  }
0x32: {  	[sflag:s23] =	ssyncset.done $0x0  }
0x33: {  	s3 =	simm.s32 $0x2880;
	[sflag:s23] =	ssyncadd.s32 $0xFFFFF800  }
0x34: {  	[spmem:s4] =	stream.indirect.scatter.add.f32 [tilespmem:s18], [sflag:$0x3], $0x10, s3, s16, $0xb8;
	[tilespmem:$0xC000] =	vst v63  }
0x35: {  	_ =	swait.ge [sflag:s23], $0x800  }
0x36: {  	[sflag:s23] =	ssyncset.done $0x0  }
0x37: {  	s14 =	simm.s32 $0x2900;
	[sflag:s23] =	ssyncadd.s32 $0xFFFFF800  }
0x38: {  	[spmem:s4] =	stream.indirect.scatter.add.f32 [tilespmem:s20], [sflag:$0x3], $0x10, s14, s16, $0xb8;
	[tilespmem:$0xC000] =	vst v63  }
0x39: {  	_ =	swait.ge [sflag:s23], $0x800  }
0x3a: {  	[sflag:s23] =	ssyncset.done $0x0  }
0x3b: {  	s3 =	simm.s32 $0x2980;
	[sflag:s23] =	ssyncadd.s32 $0xFFFFF800  }
0x3c: {  	[spmem:s4] =	stream.indirect.scatter.add.f32 [tilespmem:s22], [sflag:$0x3], $0x10, s3, s16, $0xb8;
	[tilespmem:$0xC000] =	vst v63  }
0x3d: {  	_ =	swait.ge [sflag:s25], $0x800  }
0x3e: {  	[sflag:s25] =	ssyncset.done $0x0  }
0x3f: {  	s14 =	simm.s32 $0x200;
	[sflag:s25] =	ssyncadd.s32 $0xFFFFF800  }
0x40: {  	[tilespmem:s17], [sflag:$0x2] =	stream.indirect.gather [spmem:s2], $0x10, s14, s16, $0xb8;
	[tilespmem:$0xC000] =	vst v63  }
0x41: {  	_ =	swait.ge [sflag:s25], $0x800  }
0x42: {  	[sflag:s25] =	ssyncset.done $0x0  }
0x43: {  	s3 =	simm.s32 $0x280;
	[sflag:s25] =	ssyncadd.s32 $0xFFFFF800  }
0x44: {  	[tilespmem:s18], [sflag:$0x2] =	stream.indirect.gather [spmem:s2], $0x10, s3, s16, $0xb8;
	[tilespmem:$0xC000] =	vst v63  }
0x45: {  	_ =	swait.ge [sflag:s25], $0x800  }
0x46: {  	[sflag:s25] =	ssyncset.done $0x0  }
0x47: {  	s14 =	simm.s32 $0x300;
	[sflag:s25] =	ssyncadd.s32 $0xFFFFF800  }
0x48: {  	[tilespmem:s20], [sflag:$0x2] =	stream.indirect.gather [spmem:s2], $0x10, s14, s16, $0xb8;
	[tilespmem:$0xC000] =	vst v63  }
0x49: {  	_ =	swait.ge [sflag:s25], $0x800  }
0x4a: {  	[sflag:s25] =	ssyncset.done $0x0  }
0x4b: {  	s1 =	simm.s32 $0x380;
	s3 =	simm.s32 $0x800;
	[sflag:s25] =	ssyncadd.s32 $0xFFFFF800  }
.LBB2_2:
0x4c: {  	[tilespmem:s22], [sflag:$0x2] =	stream.indirect.gather [spmem:s2], $0x10, s1, s16, $0xb8;
	[tilespmem:$0xC000] =	vst v63  }
0x4d: {  	s1 =	smov.u32 s3  }
0x4e: {  	p0 =	sne.s32 s3, $0x9000;
	s3 =	sadd.s32 $0x800, s3;
	_ =	swait.ge [sflag:s23], $0x800  }
0x4f: {  	s1 =	sshra.s32 s1, $0x2;
	[sflag:s23] =	ssyncset.done $0x0  }
0x50: {  	s14 =	sadd.s32 $0x2800, s1;
	[sflag:s23] =	ssyncadd.s32 $0xFFFFF800  }
0x51: {  	[spmem:s4] =	stream.indirect.scatter.add.f32 [tilespmem:s17], [sflag:$0x3], $0x10, s14, s16, $0xb8;
	[tilespmem:$0xC000] =	vst v63  }
0x52: {  	_ =	swait.ge [sflag:s23], $0x800  }
0x53: {  	[sflag:s23] =	ssyncset.done $0x0  }
0x54: {  	s14 =	sadd.s32 $0x2880, s1;
	[sflag:s23] =	ssyncadd.s32 $0xFFFFF800  }
0x55: {  	[spmem:s4] =	stream.indirect.scatter.add.f32 [tilespmem:s18], [sflag:$0x3], $0x10, s14, s16, $0xb8;
	[tilespmem:$0xC000] =	vst v63  }
0x56: {  	_ =	swait.ge [sflag:s23], $0x800  }
0x57: {  	[sflag:s23] =	ssyncset.done $0x0  }
0x58: {  	s14 =	sadd.s32 $0x2900, s1;
	[sflag:s23] =	ssyncadd.s32 $0xFFFFF800  }
0x59: {  	[spmem:s4] =	stream.indirect.scatter.add.f32 [tilespmem:s20], [sflag:$0x3], $0x10, s14, s16, $0xb8;
	[tilespmem:$0xC000] =	vst v63  }
0x5a: {  	_ =	swait.ge [sflag:s23], $0x800  }
0x5b: {  	[sflag:s23] =	ssyncset.done $0x0  }
0x5c: {  	s14 =	sadd.s32 $0x2980, s1;
	[sflag:s23] =	ssyncadd.s32 $0xFFFFF800  }
0x5d: {  	[spmem:s4] =	stream.indirect.scatter.add.f32 [tilespmem:s22], [sflag:$0x3], $0x10, s14, s16, $0xb8;
	[tilespmem:$0xC000] =	vst v63  }
0x5e: {  	_ =	swait.ge [sflag:s25], $0x800  }
0x5f: {  	[sflag:s25] =	ssyncset.done $0x0  }
0x60: {  	s14 =	sadd.s32 $0x200, s1;
	[sflag:s25] =	ssyncadd.s32 $0xFFFFF800  }
0x61: {  	[tilespmem:s17], [sflag:$0x2] =	stream.indirect.gather [spmem:s2], $0x10, s14, s16, $0xb8;
	[tilespmem:$0xC000] =	vst v63  }
0x62: {  	_ =	swait.ge [sflag:s25], $0x800  }
0x63: {  	[sflag:s25] =	ssyncset.done $0x0  }
0x64: {  	s14 =	sadd.s32 $0x280, s1;
	[sflag:s25] =	ssyncadd.s32 $0xFFFFF800  }
0x65: {  	[tilespmem:s18], [sflag:$0x2] =	stream.indirect.gather [spmem:s2], $0x10, s14, s16, $0xb8;
	[tilespmem:$0xC000] =	vst v63  }
0x66: {  	_ =	swait.ge [sflag:s25], $0x800  }
0x67: {  	[sflag:s25] =	ssyncset.done $0x0  }
.Ltmp0:
0x68: {  	s14 =	sadd.s32 $0x300, s1;
	[sflag:s25] =	ssyncadd.s32 $0xFFFFF800;
	(pc) =	sbr.rel @p0 .LBB2_2-.Ltmp0, $4  }
0x69: {  	[tilespmem:s20], [sflag:$0x2] =	stream.indirect.gather [spmem:s2], $0x10, s14, s16, $0xb8;
	[tilespmem:$0xC000] =	vst v63  }
0x6a: {  	_ =	swait.ge [sflag:s25], $0x800  }
0x6b: {  	[sflag:s25] =	ssyncset.done $0x0  }
0x6c: {  	s1 =	sadd.s32 $0x380, s1;
	[sflag:s25] =	ssyncadd.s32 $0xFFFFF800  }
0x6d: {  	[tilespmem:s22], [sflag:$0x2] =	stream.indirect.gather [spmem:s2], $0x10, s1, s16, $0xb8;
	[tilespmem:$0xC000] =	vst v63  }
0x6e: {  	_ =	swait.ge [sflag:s23], $0x800  }
0x6f: {  	[sflag:s23] =	ssyncset.done $0x0  }
0x70: {  	[sflag:s23] =	ssyncadd.s32 $0xFFFFF800  }
0x71: {  	[spmem:s4] =	stream.indirect.scatter.add.f32 [tilespmem:s17], [sflag:$0x3], $0x10, s26, s16, $0xb8;
	[tilespmem:$0xC000] =	vst v63  }
0x72: {  	_ =	swait.ge [sflag:s23], $0x800  }
0x73: {  	[sflag:s23] =	ssyncset.done $0x0  }
0x74: {  	[sflag:s23] =	ssyncadd.s32 $0xFFFFF800  }
0x75: {  	[spmem:s4] =	stream.indirect.scatter.add.f32 [tilespmem:s18], [sflag:$0x3], $0x10, s28, s16, $0xb8;
	[tilespmem:$0xC000] =	vst v63  }
0x76: {  	_ =	swait.ge [sflag:s23], $0x800  }
0x77: {  	[sflag:s23] =	ssyncset.done $0x0  }
0x78: {  	[sflag:s23] =	ssyncadd.s32 $0xFFFFF800  }
0x79: {  	[spmem:s4] =	stream.indirect.scatter.add.f32 [tilespmem:s20], [sflag:$0x3], $0x10, s29, s16, $0xb8;
	[tilespmem:$0xC000] =	vst v63  }
0x7a: {  	_ =	swait.ge [sflag:s23], $0x800  }
0x7b: {  	[sflag:s23] =	ssyncset.done $0x0  }
0x7c: {  	[sflag:s23] =	ssyncadd.s32 $0xFFFFF800  }
0x7d: {  	[spmem:s4] =	stream.indirect.scatter.add.f32 [tilespmem:s22], [sflag:$0x3], $0x10, s30, s16, $0xb8;
	[tilespmem:$0xC000] =	vst v63  }
0x7e: {  	_ =	swait.ge [sflag:s25], $0x800  }
0x7f: {  	[sflag:s25] =	ssyncset.done $0x0  }
0x80: {  	[sflag:s25] =	ssyncadd.s32 $0xFFFFF800  }
0x81: {  	_ =	swait.ge [sflag:s25], $0x800  }
0x82: {  	[sflag:s25] =	ssyncset.done $0x0  }
0x83: {  	[sflag:s25] =	ssyncadd.s32 $0xFFFFF800  }
0x84: {  	_ =	swait.ge [sflag:s25], $0x800  }
0x85: {  	[sflag:s25] =	ssyncset.done $0x0  }
0x86: {  	[sflag:s25] =	ssyncadd.s32 $0xFFFFF800  }
0x87: {  	_ =	swait.ge [sflag:s25], $0x800  }
0x88: {  	s0 =	sadd.s32 $0x1, s0;
	[sflag:s25] =	ssyncset.done $0x0  }
0x89: {  	p0 =	sne.s32 s0, s10;
	[sflag:s25] =	ssyncadd.s32 $0xFFFFF800  }
.Ltmp1:
0x8a: {  	s14 =	sor.u32 $0x1C04, s7;
	[bflag:$0x0] =	sbarrier.arrive $0xFFFF;
	(pc) =	sbr.rel @p0 .LBB2_1-.Ltmp1, $4  }
0x8b: {  	[hbm:s24], [sflag:s14] =	dma.local [spmem:s12], $0x500  }
0x8c: {  	_ =	swait.ge [sflag:s31], $0x500  }
0x8d: {  	[sflag:s31] =	ssyncset.done $0x0  }
0x8e: {  	[sflag:s31] =	ssyncadd.s32 $0xFFFFFB00  }
0x8f: {  	_ =	sfence.sel $0x180000  }
0x90: {  	[bflag:$0x0] =	sbarrier.arrive $0xFFFF  }
0x91: {  	_ =	strace $0x9000004A  }
0x92: {  	s0 =	stileid.u32;
	[bflag:$0x2] =	sbarrier.arrive $0xFFFF  }
0x93: {  	p0 =	sne.s32 s0, $0x0;
	s0 =	rddreg [dreg:$0x4]  }
0x94: {  	s0 =	sadd.s32 @!p0 $0x100000, s0  }
0x95: {  	[sflag:s0] =	ssyncadd.tile.s32 @!p0 $0x1;
	_ =	shalt  }
.Lfunc_end2:
_tile_overlayer_lowered:
.L_overlay_start_2:
0x96: {  	(tag) =	ssettag $0x2  }
0x97: {  	s0 =	rddreg [dreg:$0x0];
	s2 =	stileid.u32  }
0x98: {  	s1 =	rddreg [dreg:$0x1];
	p0 =	sne.s32 s2, $0x0  }
0x99: {  	s3 =	rddreg [dreg:$0x2];
	[bflag:$0x3] =	sbarrier.arrive $0xFFFF;
	s2 =	simm.s32 @!p0 $0x1C04  }
0x9a: {  	[timem:s3], [sflag:s2] =	dma.local @!p0 [hbm:s0], s1  }
0x9b: {  	s0 =	simm.s32 @!p0 $0x4  }
0x9c: {  	_ =	swait.ge @!p0 [sflag:s0], s1  }
0x9d: {  	s1 =	ssub.s32 @!p0 $0x0, s1;
	[sflag:s0] =	ssyncset.done @!p0 $0x0  }
0x9e: {  	[sflag:s0] =	ssyncadd.s32 @!p0 s1  }
0x9f: {  	[bflag:$0x3] =	sbarrier.arrive $0xFFFF  }
0xa0: {  	_ =	shalt  }

// kernel: kernel.14.cloned.1.call-start
scs
__scs_entry_jumppad:
0x0: {  	(pc) =	sbr.rel $0x88, $3  }
0x1: {  	(tag) =	ssettag $0x0;
	lr =	simm.s32 $0x1  }
0x2: {  	[smem:$0x3F9B] =	sst lr;
	_ =	strace $0xD0000000  }
0x3: {  	_ = 	snop  }
0x4: {  	_ = 	snop  }
0x5: {  	_ = 	snop  }
0x6: {  	_ = 	snop  }
0x7: {  	_ = 	snop  }
__scs_overlays_trampoline_lowered:
0x8: {  	[smem:$0x3FAA] =	sst s0  }
0x9: {  	[smem:$0x3FAB] =	sst s1  }
0xa: {  	[smem:$0x3FAC] =	sst s2  }
0xb: {  	[smem:$0x3FAD] =	sst s3  }
0xc: {  	[smem:$0x3FAE] =	sst s4  }
0xd: {  	[smem:$0x3FAF] =	sst s5  }
0xe: {  	[smem:$0x3FB0] =	sst s6  }
0xf: {  	[smem:$0x3FB1] =	sst s7  }
0x10: {  	[smem:$0x3FB2] =	sst s8  }
0x11: {  	[smem:$0x3FB3] =	sst s9;
	s0 =	simm.s32 @!p0 $0x0  }
0x12: {  	s1 =	sld [smem:$0x3F99];
	s0 =	simm.s32 @p0 $0x1  }
0x13: {  	[smem:$0x3FB4] =	sst s0;
	s0 =	simm.s32 @!p1 $0x0  }
0x14: {  	s2 =	sld [smem:$0x3F98];
	s0 =	simm.s32 @p1 $0x1  }
0x15: {  	[smem:$0x3FB5] =	sst s0;
	s0 =	simm.s32 @!p2 $0x0  }
0x16: {  	s3 =	sld [smem:$0x3FDB];
	s0 =	simm.s32 @p2 $0x1  }
0x17: {  	s4 =	simm.s32 $0x1BF5;
	[smem:$0x3FB7] =	sst s0  }
0x18: {  	s0 =	sld [smem:$0x3F9A];
	_ =	swait.ge [sflag:s4], $0x0  }
0x19: {  	s7 =	sld [smem:$0x3F9B]  }
0x1a: {  	s8 =	sadd.s32 $0xFFFFE003, lr  }
0x1b: {  	s9 =	sadd.s32 $0xFFFFFEF7, lr;
	s5 =	simm.s32 $0xFFFFFFFF;
	p2 =	slt.u32 s8, $0xFFFFF086  }
0x1c: {  	p1 =	slt.u32 s9, $0xF7A;
	s5 =	simm.s32 @!p2 $0x0  }
0x1d: {  	s5 =	simm.s32 @p1 $0x1;
	p0 =	seq.s32 s7, s2  }
0x1e: {  	s7 =	smul.u32 @!p0 $0xF7A, s2;
	p2 =	seq.s32 @!p0 s5, $0x0  }
0x1f: {  	s9 =	smul.u32 $0xF7A, s1;
	s8 =	simm.s32 @!p0 $0x1BF5;
	p2 =	por !p2, p0  }
0x20: {  	[sflag:s8] =	ssyncset.s32 @!p0 $0xFFFFF086;
	s6 =	sadd.s32 @!p0 s3, s7;
	s7 =	simm.s32 @!p0 $0x108  }
0x21: {  	s3 =	sadd.s32 s3, s9;
	s6 =	sadd.s32 @!p0 $0x88, s6;
	s7 =	simm.s32 @p2 $0x1082  }
0x22: {  	[simem:s7], [sflag:s8] =	dma.local @!p0 [hbm:s6], $0xF7A  }
0x23: {  	s9 =	sor.u32 $0xD0000000, s2;
	s6 =	simm.s32 $0x108;
	_ =	swait.ge @!p0 [sflag:s8], $0x0  }
0x24: {  	s3 =	sadd.s32 $0x88, s3;
	s6 =	simm.s32 @!p1 $0x1082;
	[sflag:s4] =	ssyncset.s32 $0xFFFFF086  }
0x25: {  	[simem:s6], [sflag:s4] =	dma.local [hbm:s3], $0xF7A  }
0x26: {  	[smem:$0x3F9B] =	sst s1;
	(tag) =	ssettag s2;
	_ =	strace s9  }
0x27: {  	s1 =	sld [smem:$0x3FAB]  }
0x28: {  	s2 =	sld [smem:$0x3FAC]  }
0x29: {  	s4 =	sld [smem:$0x3FAE]  }
0x2a: {  	p0 =	seq.s32 s5, $0x0;
	s5 =	sld [smem:$0x3FAF]  }
0x2b: {  	s6 =	sld [smem:$0x3FB0]  }
0x2c: {  	s7 =	sld [smem:$0x3FB1]  }
0x2d: {  	s3 =	simm.s32 $0x108;
	s8 =	sld [smem:$0x3FB2]  }
0x2e: {  	s3 =	simm.s32 @!p0 $0x1082;
	s9 =	sld [smem:$0x3FB3]  }
0x2f: {  	lr =	sadd.s32 s0, s3;
	s0 =	sld [smem:$0x3FAA]  }
0x30: {  	s3 =	sld [smem:$0x3FAD]  }
0x31: {  	[smem:$0x3FB6] =	sst s10  }
0x32: {  	s10 =	sld [smem:$0x3FB4];
	_ =	sdelay $0x3  }
0x33: {  	p0 =	seq.s32 s10, $0x1;
	s10 =	sld [smem:$0x3FB6];
	_ =	sdelay $0x3  }
0x34: {  	[smem:$0x3FB6] =	sst s10  }
0x35: {  	s10 =	sld [smem:$0x3FB5];
	_ =	sdelay $0x3  }
0x36: {  	p1 =	seq.s32 s10, $0x1;
	s10 =	sld [smem:$0x3FB6];
	_ =	sdelay $0x3  }
0x37: {  	[smem:$0x3FB6] =	sst s10  }
0x38: {  	s10 =	sld [smem:$0x3FB7]  }
0x39: {  	_ = 	snop;
	(pc) =	sbr.ind lr, $3  }
0x3a: {  	_ = 	snop  }
0x3b: {  	_ = 	snop  }
0x3c: {  	p2 =	seq.s32 s10, $0x1;
	s10 =	sld [smem:$0x3FB6]  }
0x3d: {  	_ =	shalt  }
0x3e: {  	_ =	shalt  }
0x3f: {  	_ =	shalt  }
0x40: {  	_ =	shalt  }
0x41: {  	_ =	shalt  }
0x42: {  	_ =	shalt  }
0x43: {  	_ =	shalt  }
0x44: {  	_ =	shalt  }
0x45: {  	_ =	shalt  }
0x46: {  	_ =	shalt  }
0x47: {  	_ =	shalt  }
0x48: {  	_ =	shalt  }
0x49: {  	_ =	shalt  }
0x4a: {  	_ =	shalt  }
0x4b: {  	_ =	shalt  }
0x4c: {  	_ =	shalt  }
0x4d: {  	_ =	shalt  }
0x4e: {  	_ =	shalt  }
0x4f: {  	_ =	shalt  }
0x50: {  	_ =	shalt  }
0x51: {  	_ =	shalt  }
0x52: {  	_ =	shalt  }
0x53: {  	_ =	shalt  }
0x54: {  	_ =	shalt  }
0x55: {  	_ =	shalt  }
0x56: {  	_ =	shalt  }
0x57: {  	_ =	shalt  }
0x58: {  	_ =	shalt  }
0x59: {  	_ =	shalt  }
0x5a: {  	_ =	shalt  }
0x5b: {  	_ =	shalt  }
0x5c: {  	_ =	shalt  }
0x5d: {  	_ =	shalt  }
0x5e: {  	_ =	shalt  }
0x5f: {  	_ =	shalt  }
0x60: {  	_ =	shalt  }
0x61: {  	_ =	shalt  }
0x62: {  	_ =	shalt  }
0x63: {  	_ =	shalt  }
0x64: {  	_ =	shalt  }
0x65: {  	_ =	shalt  }
0x66: {  	_ =	shalt  }
0x67: {  	_ =	shalt  }
0x68: {  	_ =	shalt  }
0x69: {  	_ =	shalt  }
0x6a: {  	_ =	shalt  }
0x6b: {  	_ =	shalt  }
0x6c: {  	_ =	shalt  }
0x6d: {  	_ =	shalt  }
0x6e: {  	_ =	shalt  }
0x6f: {  	_ =	shalt  }
0x70: {  	_ =	shalt  }
0x71: {  	_ =	shalt  }
0x72: {  	_ =	shalt  }
0x73: {  	_ =	shalt  }
0x74: {  	_ =	shalt  }
0x75: {  	_ =	shalt  }
0x76: {  	_ =	shalt  }
0x77: {  	_ =	shalt  }
0x78: {  	_ =	shalt  }
0x79: {  	_ =	shalt  }
0x7a: {  	_ =	shalt  }
0x7b: {  	_ =	shalt  }
0x7c: {  	_ =	shalt  }
0x7d: {  	_ =	shalt  }
0x7e: {  	_ =	shalt  }
0x7f: {  	_ =	shalt  }
0x80: {  	_ =	shalt  }
0x81: {  	_ =	shalt  }
0x82: {  	_ =	shalt  }
0x83: {  	_ =	shalt  }
0x84: {  	_ =	shalt  }
0x85: {  	_ =	shalt  }
0x86: {  	_ =	shalt  }
0x87: {  	_ =	shalt  }
.Lfunc_end0:
.L_simem_size_0:
called_computation.2_lowered:
.L_overlay_start_0:
0x88: {  	s2 =	sld [smem:$0x3FD9]  }
0x89: {  	s3 =	sld [smem:$0x3FFE];
	_ =	sdelay $0x1  }
0x8a: {  	s1 =	srdreg.scid  }
0x8b: {  	s0 =	sand.u32 $0x1, s1  }
0x8c: {  	s17 =	sshll.u32 s0, $0xA;
	s2 =	sadd.s32 s3, s2  }
0x8d: {  	s2 =	sadd.s32 s2, s17  }
0x8e: {  	[smem:$0x3FC2] =	sst s2  }
0x8f: {  	_ = 	snop  }
0x90: {  	s2 =	sld [smem:$0x3FD0];
	(tm) =	ssettm $0x1  }
0x91: {  	s18 =	sld [smem:$0x3FFB];
	_ =	sdelay $0x3  }
0x92: {  	_ =	strace s18  }
0x93: {  	s3 =	sld [smem:$0x3FFC];
	_ =	sdelay $0x3  }
0x94: {  	_ =	strace s3  }
0x95: {  	s3 =	sld [smem:$0x3FFD];
	_ =	sdelay $0x3  }
0x96: {  	_ =	strace s3  }
0x97: {  	_ =	strace $0x8FFFFFFF  }
0x98: {  	s19 =	sld [smem:$0x3FDB];
	_ =	sdelay $0x1  }
0x99: {  	s4 =	simm.s32 $_scs_section_size  }
0x9a: {  	s5 =	simm.s32 $_size__tile_overlayer_lowered;
	s6 =	simm.s32 $_tile_overlayer_lowered  }
0x9b: {  	s22 =	simm.s32 $0x1BFF;
	s21 =	sshll.u32 s6, $0x1;
	s3 =	sadd.s32 s4, s19  }
0x9c: {  	s7 =	simm.s32 $0x0;
	s20 =	sshll.u32 s5, $0x1;
	s5 =	sadd.s32 s21, s3  }
0x9d: {  	[timem:s7], [sflag:s22] =	dma.local [hbm:s5], s20  }
0x9e: {  	_ =	swait.ge [sflag:s22], s20  }
0x9f: {  	s4 =	ssub.s32 $0x0, s20;
	[sflag:s22] =	ssyncset.done $0x0  }
0xa0: {  	[sflag:s22] =	ssyncadd.s32 s4;
	_ =	sdelay $0x1  }
0xa1: {  	s23 =	simm.s32 $0x1B8B  }
0xa2: {  	_ =	swait.ge [sflag:s23], $0x1  }
0xa3: {  	[sflag:s23] =	ssyncset.done $0x0  }
0xa4: {  	s25 =	simm.s32 $0x1B8E;
	s24 =	sld [smem:$0x3FFE];
	[sflag:s23] =	ssyncadd.s32 $0xFFFFFFFF  }
0xa5: {  	s26 =	simm.s32 $execute0_lowered;
	[smem:$0x3FD2] =	sst s25  }
0xa6: {  	s5 =	sshll.u32 s26, $0x1;
	_ =	strace $0x8000004C;
	[dreg:$0x1] =	wrdreg $0xFFFFFFFF  }
0xa7: {  	s28 =	simm.s32 $_size_execute0_lowered;
	s3 =	sadd.s32 s3, s5;
	[dreg:$0x0] =	wrdreg $0x0  }
0xa8: {  	s5 =	sshll.u32 s28, $0x1;
	[dreg:$0x2] =	wrdreg s3  }
0xa9: {  	[dreg:$0x3] =	wrdreg s5  }
0xaa: {  	[dreg:$0x4] =	wrdreg $0xC0  }
0xab: {  	_ =	task [dreg:s7], $0x5FFFF  }
0xac: {  	[dreg:$0x1] =	wrdreg $0xFFFFFFFF  }
0xad: {  	[dreg:$0x0] =	wrdreg $0x60  }
0xae: {  	[dreg:$0x2] =	wrdreg s24  }
0xaf: {  	[dreg:$0x3] =	wrdreg s2  }
0xb0: {  	[dreg:$0x4] =	wrdreg $0x70000  }
0xb1: {  	[dreg:$0x5] =	wrdreg $0x98000  }
0xb2: {  	[dreg:$0x6] =	wrdreg $0x9  }
0xb3: {  	_ =	task.clear_ibuf [dreg:s7], $0x7FFFF;
	_ =	strace $0x9000004C  }
0xb4: {  	s29 =	simm.s32 $0x9;
	_ =	strace $0x8000004E  }
0xb5: {  	_ =	swait.ge [sflag:s29], $0x1  }
0xb6: {  	[sflag:s29] =	ssyncadd.s32 $0xFFFFFFFF  }
0xb7: {  	_ =	strace $0x9000004E  }
0xb8: {  	_ =	sfence  }
0xb9: {  	s30 =	sld [smem:$0x0];
	_ =	sdelay $0x2  }
0xba: {  	s31 =	sshll.u32 s1, $0xD;
	s1 =	sshrl.u32 s1, $0x2  }
0xbb: {  	s3 =	sand.u32 $0x4000, s31;
	s1 =	sadd.s32 s1, s30  }
0xbc: {  	s0 =	sor.u32 s3, s0;
	s1 =	sshll.u32 s1, $0x11  }
0xbd: {  	s0 =	sor.u32 s1, s0  }
0xbe: {  	s0 =	sadd.s32 $0x8F2B, s0  }
0xbf: {  	[sflag:s0] =	ssyncadd.remote.s32 $0x1  }
0xc0: {  	_ =	sfence.sel $0xFFFF  }
0xc1: {  	[dreg:$0x0] =	wrdreg $0xFFFFFFFF;
	(pc) =	sbr.abs _section_cstart, $3  }
0xc2: {  	[dreg:$0x1] =	wrdreg $0xFFFFFFFF  }
0xc3: {  	_ =	task.clear_ibuf [dreg:s7], $0x2FFFF;
	_ =	strace $0x9FFFFFFF  }
0xc4: {  	(tm) =	ssettm $0x7FFFFFFF  }
0xc5: {  	_ =	shalt  }
tec
execute0_lowered:
.L_overlay_start_1:
0x0: {  	(tag) =	ssettag $0x1  }
0x1: {  	s0 =	rddreg [dreg:$0x0]  }
0x2: {  	s2 =	rddreg [dreg:$0x2];
	s1 =	srdreg.scid  }
0x3: {  	s4 =	rddreg [dreg:$0x3];
	s13 =	stileid.u32  }
0x4: {  	s5 =	simm.s32 $0x0;
	s15 =	simm.s32 $0x1;
	s16 =	simm.s32 $0x80  }
0x5: {  	s17 =	simm.s32 $0x5000;
	s18 =	simm.s32 $0x5800;
	s19 =	simm.s32 $0x100  }
0x6: {  	s20 =	simm.s32 $0x6000;
	s21 =	simm.s32 $0x180;
	s22 =	simm.s32 $0x6800  }
0x7: {  	s23 =	simm.s32 $0x2;
	s28 =	simm.s32 $0x4E80;
	s29 =	simm.s32 $0x4F00  }
0x8: {  	s30 =	simm.s32 $0x4F80;
	s31 =	simm.s32 $0x4;
	s1 =	sand.u32 $0x1, s1  }
0x9: {  	s9 =	smul.u32 $0x2800, s13;
	[smem:$0x7FF] =	sst s5;
	s3 =	sshll.u32 s1, $0x4  }
0xa: {  	s6 =	smul.u32 $0x5000, s1;
	s1 =	ssub.s32 $0x2, s1;
	_ =	strace $0x8000004D  }
0xb: {  	s3 =	sor.u32 s13, s3;
	s24 =	sshrl.u32 s9, $0x3;
	s8 =	sshrl.u32 s1, $0x1  }
0xc: {  	s12 =	sadd.s32 s9, s2;
	s26 =	sadd.s32 s9, s4;
	s3 =	smul.u32 $0x500, s3  }
0xd: {  	s7 =	sadd.s32 s24, s0;
	s11 =	sadd.s32 s6, s0;
	s1 =	ssub.s32 s1, s8  }
0xe: {  	s6 =	sadd.s32 $0x16A00, s7;
	s7 =	sshll.u32 s13, $0x6;
	s25 =	sadd.s32 $0x1BA00, s11  }
0xf: {  	s11 =	sshrl.u32 s12, $0x3;
	s12 =	sshrl.u32 s26, $0x3;
	s26 =	simm.s32 $0x4E00  }
0x10: {  	s10 =	sadd.s32 s3, s0;
	s8 =	sor.u32 $0x1C01, s7;
	s0 =	sadd.s32 $0xCA00, s0  }
0x11: {  	s24 =	sadd.s32 s24, s25;
	s25 =	simm.s32 $0x3;
	s9 =	sadd.s32 $0x2A00, s10  }
0x12: {  	s10 =	smax.u32 s1, $0x1;
	s13 =	sadd.s32 s3, s0;
	s0 =	simm.s32 $0x0  }
.LBB2_1:
0x13: {  	[spmem:s11], [sflag:s8] =	dma.local [hbm:s6], $0x500  }
0x14: {  	s1 =	rddreg [dreg:$0x1]  }
0x15: {  	[spmem:s12], [sflag:s8] =	dma.local [hbm:s1], $0x500  }
0x16: {  	[tilespmem:s5], [sflag:$0x1] =	stream.linear.gather [hbm4b:s9+s5], $0x2800, $0x38;
	[tilespmem:$0xC000] =	vst v63  }
0x17: {  	s3 =	simm.s32 $0x2800  }
0x18: {  	[tilespmem:s3], [sflag:$0x1] =	stream.linear.gather [hbm4b:s13+s5], $0x2800, $0x38;
	[tilespmem:$0xC000] =	vst v63  }
0x19: {  	_ =	swait.ge [sflag:s15], $0x500  }
0x1a: {  	[sflag:s15] =	ssyncset.done $0x0  }
0x1b: {  	[sflag:s15] =	ssyncadd.s32 $0xFFFFFB00  }
0x1c: {  	_ =	swait.ge [sflag:s15], $0x500  }
0x1d: {  	[sflag:s15] =	ssyncset.done $0x0  }
0x1e: {  	[sflag:s15] =	ssyncadd.s32 $0xFFFFFB00  }
0x1f: {  	_ =	swait.ge [sflag:s15], $0x2800  }
0x20: {  	[sflag:s15] =	ssyncset.done $0x0  }
0x21: {  	[sflag:s15] =	ssyncadd.s32 $0xFFFFD800  }
0x22: {  	_ =	swait.ge [sflag:s15], $0x2800  }
0x23: {  	[sflag:s15] =	ssyncset.done $0x0  }
0x24: {  	[sflag:s15] =	ssyncadd.s32 $0xFFFFD800  }
0x25: {  	[bflag:$0x0] =	sbarrier.arrive $0xFFFF  }
0x26: {  	[tilespmem:s17], [sflag:$0x2] =	stream.indirect.gather [spmem:s2], $0x10, s5, s16, $0xb8;
	[tilespmem:$0xC000] =	vst v63  }
0x27: {  	_ = 	snop  }
0x28: {  	[tilespmem:s18], [sflag:$0x2] =	stream.indirect.gather [spmem:s2], $0x10, s16, s16, $0xb8;
	[tilespmem:$0xC000] =	vst v63  }
0x29: {  	_ = 	snop  }
0x2a: {  	[tilespmem:s20], [sflag:$0x2] =	stream.indirect.gather [spmem:s2], $0x10, s19, s16, $0xb8;
	[tilespmem:$0xC000] =	vst v63  }
0x2b: {  	_ = 	snop  }
0x2c: {  	[tilespmem:s22], [sflag:$0x2] =	stream.indirect.gather [spmem:s2], $0x10, s21, s16, $0xb8;
	[tilespmem:$0xC000] =	vst v63  }
0x2d: {  	_ =	swait.ge [sflag:s23], $0x800  }
0x2e: {  	[sflag:s23] =	ssyncset.done $0x0  }
0x2f: {  	s14 =	simm.s32 $0x2800;
	[sflag:s23] =	ssyncadd.s32 $0xFFFFF800  }
0x30: {  	[spmem:s4] =	stream.indirect.scatter.add.f32 [tilespmem:s17], [sflag:$0x3], $0x10, s14, s16, $0xb8;
	[tilespmem:$0xC000] =	vst v63  }
0x31: {  	_ =	swait.ge [sflag:s23], $0x800  }
0x32: {  	[sflag:s23] =	ssyncset.done $0x0  }
0x33: {  	s3 =	simm.s32 $0x2880;
	[sflag:s23] =	ssyncadd.s32 $0xFFFFF800  }
0x34: {  	[spmem:s4] =	stream.indirect.scatter.add.f32 [tilespmem:s18], [sflag:$0x3], $0x10, s3, s16, $0xb8;
	[tilespmem:$0xC000] =	vst v63  }
0x35: {  	_ =	swait.ge [sflag:s23], $0x800  }
0x36: {  	[sflag:s23] =	ssyncset.done $0x0  }
0x37: {  	s14 =	simm.s32 $0x2900;
	[sflag:s23] =	ssyncadd.s32 $0xFFFFF800  }
0x38: {  	[spmem:s4] =	stream.indirect.scatter.add.f32 [tilespmem:s20], [sflag:$0x3], $0x10, s14, s16, $0xb8;
	[tilespmem:$0xC000] =	vst v63  }
0x39: {  	_ =	swait.ge [sflag:s23], $0x800  }
0x3a: {  	[sflag:s23] =	ssyncset.done $0x0  }
0x3b: {  	s3 =	simm.s32 $0x2980;
	[sflag:s23] =	ssyncadd.s32 $0xFFFFF800  }
0x3c: {  	[spmem:s4] =	stream.indirect.scatter.add.f32 [tilespmem:s22], [sflag:$0x3], $0x10, s3, s16, $0xb8;
	[tilespmem:$0xC000] =	vst v63  }
0x3d: {  	_ =	swait.ge [sflag:s25], $0x800  }
0x3e: {  	[sflag:s25] =	ssyncset.done $0x0  }
0x3f: {  	s14 =	simm.s32 $0x200;
	[sflag:s25] =	ssyncadd.s32 $0xFFFFF800  }
0x40: {  	[tilespmem:s17], [sflag:$0x2] =	stream.indirect.gather [spmem:s2], $0x10, s14, s16, $0xb8;
	[tilespmem:$0xC000] =	vst v63  }
0x41: {  	_ =	swait.ge [sflag:s25], $0x800  }
0x42: {  	[sflag:s25] =	ssyncset.done $0x0  }
0x43: {  	s3 =	simm.s32 $0x280;
	[sflag:s25] =	ssyncadd.s32 $0xFFFFF800  }
0x44: {  	[tilespmem:s18], [sflag:$0x2] =	stream.indirect.gather [spmem:s2], $0x10, s3, s16, $0xb8;
	[tilespmem:$0xC000] =	vst v63  }
0x45: {  	_ =	swait.ge [sflag:s25], $0x800  }
0x46: {  	[sflag:s25] =	ssyncset.done $0x0  }
0x47: {  	s14 =	simm.s32 $0x300;
	[sflag:s25] =	ssyncadd.s32 $0xFFFFF800  }
0x48: {  	[tilespmem:s20], [sflag:$0x2] =	stream.indirect.gather [spmem:s2], $0x10, s14, s16, $0xb8;
	[tilespmem:$0xC000] =	vst v63  }
0x49: {  	_ =	swait.ge [sflag:s25], $0x800  }
0x4a: {  	[sflag:s25] =	ssyncset.done $0x0  }
0x4b: {  	s1 =	simm.s32 $0x380;
	s3 =	simm.s32 $0x800;
	[sflag:s25] =	ssyncadd.s32 $0xFFFFF800  }
.LBB2_2:
0x4c: {  	[tilespmem:s22], [sflag:$0x2] =	stream.indirect.gather [spmem:s2], $0x10, s1, s16, $0xb8;
	[tilespmem:$0xC000] =	vst v63  }
0x4d: {  	s1 =	smov.u32 s3  }
0x4e: {  	p0 =	sne.s32 s3, $0x9000;
	s3 =	sadd.s32 $0x800, s3;
	_ =	swait.ge [sflag:s23], $0x800  }
0x4f: {  	s1 =	sshra.s32 s1, $0x2;
	[sflag:s23] =	ssyncset.done $0x0  }
0x50: {  	s14 =	sadd.s32 $0x2800, s1;
	[sflag:s23] =	ssyncadd.s32 $0xFFFFF800  }
0x51: {  	[spmem:s4] =	stream.indirect.scatter.add.f32 [tilespmem:s17], [sflag:$0x3], $0x10, s14, s16, $0xb8;
	[tilespmem:$0xC000] =	vst v63  }
0x52: {  	_ =	swait.ge [sflag:s23], $0x800  }
0x53: {  	[sflag:s23] =	ssyncset.done $0x0  }
0x54: {  	s14 =	sadd.s32 $0x2880, s1;
	[sflag:s23] =	ssyncadd.s32 $0xFFFFF800  }
0x55: {  	[spmem:s4] =	stream.indirect.scatter.add.f32 [tilespmem:s18], [sflag:$0x3], $0x10, s14, s16, $0xb8;
	[tilespmem:$0xC000] =	vst v63  }
0x56: {  	_ =	swait.ge [sflag:s23], $0x800  }
0x57: {  	[sflag:s23] =	ssyncset.done $0x0  }
0x58: {  	s14 =	sadd.s32 $0x2900, s1;
	[sflag:s23] =	ssyncadd.s32 $0xFFFFF800  }
0x59: {  	[spmem:s4] =	stream.indirect.scatter.add.f32 [tilespmem:s20], [sflag:$0x3], $0x10, s14, s16, $0xb8;
	[tilespmem:$0xC000] =	vst v63  }
0x5a: {  	_ =	swait.ge [sflag:s23], $0x800  }
0x5b: {  	[sflag:s23] =	ssyncset.done $0x0  }
0x5c: {  	s14 =	sadd.s32 $0x2980, s1;
	[sflag:s23] =	ssyncadd.s32 $0xFFFFF800  }
0x5d: {  	[spmem:s4] =	stream.indirect.scatter.add.f32 [tilespmem:s22], [sflag:$0x3], $0x10, s14, s16, $0xb8;
	[tilespmem:$0xC000] =	vst v63  }
0x5e: {  	_ =	swait.ge [sflag:s25], $0x800  }
0x5f: {  	[sflag:s25] =	ssyncset.done $0x0  }
0x60: {  	s14 =	sadd.s32 $0x200, s1;
	[sflag:s25] =	ssyncadd.s32 $0xFFFFF800  }
0x61: {  	[tilespmem:s17], [sflag:$0x2] =	stream.indirect.gather [spmem:s2], $0x10, s14, s16, $0xb8;
	[tilespmem:$0xC000] =	vst v63  }
0x62: {  	_ =	swait.ge [sflag:s25], $0x800  }
0x63: {  	[sflag:s25] =	ssyncset.done $0x0  }
0x64: {  	s14 =	sadd.s32 $0x280, s1;
	[sflag:s25] =	ssyncadd.s32 $0xFFFFF800  }
0x65: {  	[tilespmem:s18], [sflag:$0x2] =	stream.indirect.gather [spmem:s2], $0x10, s14, s16, $0xb8;
	[tilespmem:$0xC000] =	vst v63  }
0x66: {  	_ =	swait.ge [sflag:s25], $0x800  }
0x67: {  	[sflag:s25] =	ssyncset.done $0x0  }
.Ltmp0:
0x68: {  	s14 =	sadd.s32 $0x300, s1;
	[sflag:s25] =	ssyncadd.s32 $0xFFFFF800;
	(pc) =	sbr.rel @p0 .LBB2_2-.Ltmp0, $4  }
0x69: {  	[tilespmem:s20], [sflag:$0x2] =	stream.indirect.gather [spmem:s2], $0x10, s14, s16, $0xb8;
	[tilespmem:$0xC000] =	vst v63  }
0x6a: {  	_ =	swait.ge [sflag:s25], $0x800  }
0x6b: {  	[sflag:s25] =	ssyncset.done $0x0  }
0x6c: {  	s1 =	sadd.s32 $0x380, s1;
	[sflag:s25] =	ssyncadd.s32 $0xFFFFF800  }
0x6d: {  	[tilespmem:s22], [sflag:$0x2] =	stream.indirect.gather [spmem:s2], $0x10, s1, s16, $0xb8;
	[tilespmem:$0xC000] =	vst v63  }
0x6e: {  	_ =	swait.ge [sflag:s23], $0x800  }
0x6f: {  	[sflag:s23] =	ssyncset.done $0x0  }
0x70: {  	[sflag:s23] =	ssyncadd.s32 $0xFFFFF800  }
0x71: {  	[spmem:s4] =	stream.indirect.scatter.add.f32 [tilespmem:s17], [sflag:$0x3], $0x10, s26, s16, $0xb8;
	[tilespmem:$0xC000] =	vst v63  }
0x72: {  	_ =	swait.ge [sflag:s23], $0x800  }
0x73: {  	[sflag:s23] =	ssyncset.done $0x0  }
0x74: {  	[sflag:s23] =	ssyncadd.s32 $0xFFFFF800  }
0x75: {  	[spmem:s4] =	stream.indirect.scatter.add.f32 [tilespmem:s18], [sflag:$0x3], $0x10, s28, s16, $0xb8;
	[tilespmem:$0xC000] =	vst v63  }
0x76: {  	_ =	swait.ge [sflag:s23], $0x800  }
0x77: {  	[sflag:s23] =	ssyncset.done $0x0  }
0x78: {  	[sflag:s23] =	ssyncadd.s32 $0xFFFFF800  }
0x79: {  	[spmem:s4] =	stream.indirect.scatter.add.f32 [tilespmem:s20], [sflag:$0x3], $0x10, s29, s16, $0xb8;
	[tilespmem:$0xC000] =	vst v63  }
0x7a: {  	_ =	swait.ge [sflag:s23], $0x800  }
0x7b: {  	[sflag:s23] =	ssyncset.done $0x0  }
0x7c: {  	[sflag:s23] =	ssyncadd.s32 $0xFFFFF800  }
0x7d: {  	[spmem:s4] =	stream.indirect.scatter.add.f32 [tilespmem:s22], [sflag:$0x3], $0x10, s30, s16, $0xb8;
	[tilespmem:$0xC000] =	vst v63  }
0x7e: {  	_ =	swait.ge [sflag:s25], $0x800  }
0x7f: {  	[sflag:s25] =	ssyncset.done $0x0  }
0x80: {  	[sflag:s25] =	ssyncadd.s32 $0xFFFFF800  }
0x81: {  	_ =	swait.ge [sflag:s25], $0x800  }
0x82: {  	[sflag:s25] =	ssyncset.done $0x0  }
0x83: {  	[sflag:s25] =	ssyncadd.s32 $0xFFFFF800  }
0x84: {  	_ =	swait.ge [sflag:s25], $0x800  }
0x85: {  	[sflag:s25] =	ssyncset.done $0x0  }
0x86: {  	[sflag:s25] =	ssyncadd.s32 $0xFFFFF800  }
0x87: {  	_ =	swait.ge [sflag:s25], $0x800  }
0x88: {  	s0 =	sadd.s32 $0x1, s0;
	[sflag:s25] =	ssyncset.done $0x0  }
0x89: {  	p0 =	sne.s32 s0, s10;
	[sflag:s25] =	ssyncadd.s32 $0xFFFFF800  }
.Ltmp1:
0x8a: {  	s14 =	sor.u32 $0x1C04, s7;
	[bflag:$0x0] =	sbarrier.arrive $0xFFFF;
	(pc) =	sbr.rel @p0 .LBB2_1-.Ltmp1, $4  }
0x8b: {  	[hbm:s24], [sflag:s14] =	dma.local [spmem:s12], $0x500  }
0x8c: {  	_ =	swait.ge [sflag:s31], $0x500  }
0x8d: {  	[sflag:s31] =	ssyncset.done $0x0  }
0x8e: {  	[sflag:s31] =	ssyncadd.s32 $0xFFFFFB00  }
0x8f: {  	_ =	sfence.sel $0x180000  }
0x90: {  	[bflag:$0x0] =	sbarrier.arrive $0xFFFF  }
0x91: {  	_ =	strace $0x9000004D  }
0x92: {  	s0 =	stileid.u32;
	[bflag:$0x2] =	sbarrier.arrive $0xFFFF  }
0x93: {  	p0 =	sne.s32 s0, $0x0;
	s0 =	rddreg [dreg:$0x4]  }
0x94: {  	s0 =	sadd.s32 @!p0 $0x100000, s0  }
0x95: {  	[sflag:s0] =	ssyncadd.tile.s32 @!p0 $0x1;
	_ =	shalt  }
.Lfunc_end2:
_tile_overlayer_lowered:
.L_overlay_start_2:
0x96: {  	(tag) =	ssettag $0x2  }
0x97: {  	s0 =	rddreg [dreg:$0x0];
	s2 =	stileid.u32  }
0x98: {  	s1 =	rddreg [dreg:$0x1];
	p0 =	sne.s32 s2, $0x0  }
0x99: {  	s3 =	rddreg [dreg:$0x2];
	[bflag:$0x3] =	sbarrier.arrive $0xFFFF;
	s2 =	simm.s32 @!p0 $0x1C04  }
0x9a: {  	[timem:s3], [sflag:s2] =	dma.local @!p0 [hbm:s0], s1  }
0x9b: {  	s0 =	simm.s32 @!p0 $0x4  }
0x9c: {  	_ =	swait.ge @!p0 [sflag:s0], s1  }
0x9d: {  	s1 =	ssub.s32 @!p0 $0x0, s1;
	[sflag:s0] =	ssyncset.done @!p0 $0x0  }
0x9e: {  	[sflag:s0] =	ssyncadd.s32 @!p0 s1  }
0x9f: {  	[bflag:$0x3] =	sbarrier.arrive $0xFFFF  }
0xa0: {  	_ =	shalt  }

// kernel: kernel.8.cloned.1.call-start
scs
__scs_entry_jumppad:
0x0: {  	(pc) =	sbr.rel $0x88, $3  }
0x1: {  	(tag) =	ssettag $0x0;
	lr =	simm.s32 $0x1  }
0x2: {  	[smem:$0x3F9B] =	sst lr;
	_ =	strace $0xD0000000  }
0x3: {  	_ = 	snop  }
0x4: {  	_ = 	snop  }
0x5: {  	_ = 	snop  }
0x6: {  	_ = 	snop  }
0x7: {  	_ = 	snop  }
__scs_overlays_trampoline_lowered:
0x8: {  	[smem:$0x3FAA] =	sst s0  }
0x9: {  	[smem:$0x3FAB] =	sst s1  }
0xa: {  	[smem:$0x3FAC] =	sst s2  }
0xb: {  	[smem:$0x3FAD] =	sst s3  }
0xc: {  	[smem:$0x3FAE] =	sst s4  }
0xd: {  	[smem:$0x3FAF] =	sst s5  }
0xe: {  	[smem:$0x3FB0] =	sst s6  }
0xf: {  	[smem:$0x3FB1] =	sst s7  }
0x10: {  	[smem:$0x3FB2] =	sst s8  }
0x11: {  	[smem:$0x3FB3] =	sst s9;
	s0 =	simm.s32 @!p0 $0x0  }
0x12: {  	s1 =	sld [smem:$0x3F99];
	s0 =	simm.s32 @p0 $0x1  }
0x13: {  	[smem:$0x3FB4] =	sst s0;
	s0 =	simm.s32 @!p1 $0x0  }
0x14: {  	s2 =	sld [smem:$0x3F98];
	s0 =	simm.s32 @p1 $0x1  }
0x15: {  	[smem:$0x3FB5] =	sst s0;
	s0 =	simm.s32 @!p2 $0x0  }
0x16: {  	s3 =	sld [smem:$0x3FDB];
	s0 =	simm.s32 @p2 $0x1  }
0x17: {  	s4 =	simm.s32 $0x1BF5;
	[smem:$0x3FB7] =	sst s0  }
0x18: {  	s0 =	sld [smem:$0x3F9A];
	_ =	swait.ge [sflag:s4], $0x0  }
0x19: {  	s7 =	sld [smem:$0x3F9B]  }
0x1a: {  	s8 =	sadd.s32 $0xFFFFE003, lr  }
0x1b: {  	s9 =	sadd.s32 $0xFFFFFEF7, lr;
	s5 =	simm.s32 $0xFFFFFFFF;
	p2 =	slt.u32 s8, $0xFFFFF086  }
0x1c: {  	p1 =	slt.u32 s9, $0xF7A;
	s5 =	simm.s32 @!p2 $0x0  }
0x1d: {  	s5 =	simm.s32 @p1 $0x1;
	p0 =	seq.s32 s7, s2  }
0x1e: {  	s7 =	smul.u32 @!p0 $0xF7A, s2;
	p2 =	seq.s32 @!p0 s5, $0x0  }
0x1f: {  	s9 =	smul.u32 $0xF7A, s1;
	s8 =	simm.s32 @!p0 $0x1BF5;
	p2 =	por !p2, p0  }
0x20: {  	[sflag:s8] =	ssyncset.s32 @!p0 $0xFFFFF086;
	s6 =	sadd.s32 @!p0 s3, s7;
	s7 =	simm.s32 @!p0 $0x108  }
0x21: {  	s3 =	sadd.s32 s3, s9;
	s6 =	sadd.s32 @!p0 $0x88, s6;
	s7 =	simm.s32 @p2 $0x1082  }
0x22: {  	[simem:s7], [sflag:s8] =	dma.local @!p0 [hbm:s6], $0xF7A  }
0x23: {  	s9 =	sor.u32 $0xD0000000, s2;
	s6 =	simm.s32 $0x108;
	_ =	swait.ge @!p0 [sflag:s8], $0x0  }
0x24: {  	s3 =	sadd.s32 $0x88, s3;
	s6 =	simm.s32 @!p1 $0x1082;
	[sflag:s4] =	ssyncset.s32 $0xFFFFF086  }
0x25: {  	[simem:s6], [sflag:s4] =	dma.local [hbm:s3], $0xF7A  }
0x26: {  	[smem:$0x3F9B] =	sst s1;
	(tag) =	ssettag s2;
	_ =	strace s9  }
0x27: {  	s1 =	sld [smem:$0x3FAB]  }
0x28: {  	s2 =	sld [smem:$0x3FAC]  }
0x29: {  	s4 =	sld [smem:$0x3FAE]  }
0x2a: {  	p0 =	seq.s32 s5, $0x0;
	s5 =	sld [smem:$0x3FAF]  }
0x2b: {  	s6 =	sld [smem:$0x3FB0]  }
0x2c: {  	s7 =	sld [smem:$0x3FB1]  }
0x2d: {  	s3 =	simm.s32 $0x108;
	s8 =	sld [smem:$0x3FB2]  }
0x2e: {  	s3 =	simm.s32 @!p0 $0x1082;
	s9 =	sld [smem:$0x3FB3]  }
0x2f: {  	lr =	sadd.s32 s0, s3;
	s0 =	sld [smem:$0x3FAA]  }
0x30: {  	s3 =	sld [smem:$0x3FAD]  }
0x31: {  	[smem:$0x3FB6] =	sst s10  }
0x32: {  	s10 =	sld [smem:$0x3FB4];
	_ =	sdelay $0x3  }
0x33: {  	p0 =	seq.s32 s10, $0x1;
	s10 =	sld [smem:$0x3FB6];
	_ =	sdelay $0x3  }
0x34: {  	[smem:$0x3FB6] =	sst s10  }
0x35: {  	s10 =	sld [smem:$0x3FB5];
	_ =	sdelay $0x3  }
0x36: {  	p1 =	seq.s32 s10, $0x1;
	s10 =	sld [smem:$0x3FB6];
	_ =	sdelay $0x3  }
0x37: {  	[smem:$0x3FB6] =	sst s10  }
0x38: {  	s10 =	sld [smem:$0x3FB7]  }
0x39: {  	_ = 	snop;
	(pc) =	sbr.ind lr, $3  }
0x3a: {  	_ = 	snop  }
0x3b: {  	_ = 	snop  }
0x3c: {  	p2 =	seq.s32 s10, $0x1;
	s10 =	sld [smem:$0x3FB6]  }
0x3d: {  	_ =	shalt  }
0x3e: {  	_ =	shalt  }
0x3f: {  	_ =	shalt  }
0x40: {  	_ =	shalt  }
0x41: {  	_ =	shalt  }
0x42: {  	_ =	shalt  }
0x43: {  	_ =	shalt  }
0x44: {  	_ =	shalt  }
0x45: {  	_ =	shalt  }
0x46: {  	_ =	shalt  }
0x47: {  	_ =	shalt  }
0x48: {  	_ =	shalt  }
0x49: {  	_ =	shalt  }
0x4a: {  	_ =	shalt  }
0x4b: {  	_ =	shalt  }
0x4c: {  	_ =	shalt  }
0x4d: {  	_ =	shalt  }
0x4e: {  	_ =	shalt  }
0x4f: {  	_ =	shalt  }
0x50: {  	_ =	shalt  }
0x51: {  	_ =	shalt  }
0x52: {  	_ =	shalt  }
0x53: {  	_ =	shalt  }
0x54: {  	_ =	shalt  }
0x55: {  	_ =	shalt  }
0x56: {  	_ =	shalt  }
0x57: {  	_ =	shalt  }
0x58: {  	_ =	shalt  }
0x59: {  	_ =	shalt  }
0x5a: {  	_ =	shalt  }
0x5b: {  	_ =	shalt  }
0x5c: {  	_ =	shalt  }
0x5d: {  	_ =	shalt  }
0x5e: {  	_ =	shalt  }
0x5f: {  	_ =	shalt  }
0x60: {  	_ =	shalt  }
0x61: {  	_ =	shalt  }
0x62: {  	_ =	shalt  }
0x63: {  	_ =	shalt  }
0x64: {  	_ =	shalt  }
0x65: {  	_ =	shalt  }
0x66: {  	_ =	shalt  }
0x67: {  	_ =	shalt  }
0x68: {  	_ =	shalt  }
0x69: {  	_ =	shalt  }
0x6a: {  	_ =	shalt  }
0x6b: {  	_ =	shalt  }
0x6c: {  	_ =	shalt  }
0x6d: {  	_ =	shalt  }
0x6e: {  	_ =	shalt  }
0x6f: {  	_ =	shalt  }
0x70: {  	_ =	shalt  }
0x71: {  	_ =	shalt  }
0x72: {  	_ =	shalt  }
0x73: {  	_ =	shalt  }
0x74: {  	_ =	shalt  }
0x75: {  	_ =	shalt  }
0x76: {  	_ =	shalt  }
0x77: {  	_ =	shalt  }
0x78: {  	_ =	shalt  }
0x79: {  	_ =	shalt  }
0x7a: {  	_ =	shalt  }
0x7b: {  	_ =	shalt  }
0x7c: {  	_ =	shalt  }
0x7d: {  	_ =	shalt  }
0x7e: {  	_ =	shalt  }
0x7f: {  	_ =	shalt  }
0x80: {  	_ =	shalt  }
0x81: {  	_ =	shalt  }
0x82: {  	_ =	shalt  }
0x83: {  	_ =	shalt  }
0x84: {  	_ =	shalt  }
0x85: {  	_ =	shalt  }
0x86: {  	_ =	shalt  }
0x87: {  	_ =	shalt  }
.Lfunc_end0:
.L_simem_size_0:
called_computation_lowered:
.L_overlay_start_0:
0x88: {  	s2 =	sld [smem:$0x3FD9]  }
0x89: {  	s3 =	sld [smem:$0x3FFE];
	_ =	sdelay $0x1  }
0x8a: {  	s1 =	srdreg.scid  }
0x8b: {  	s0 =	sand.u32 $0x1, s1  }
0x8c: {  	s17 =	sshll.u32 s0, $0xA;
	s2 =	sadd.s32 s3, s2  }
0x8d: {  	s2 =	sadd.s32 s2, s17  }
0x8e: {  	[smem:$0x3FC2] =	sst s2  }
0x8f: {  	_ = 	snop  }
0x90: {  	s2 =	sld [smem:$0x3FD0];
	(tm) =	ssettm $0x1  }
0x91: {  	s18 =	sld [smem:$0x3FFB];
	_ =	sdelay $0x3  }
0x92: {  	_ =	strace s18  }
0x93: {  	s3 =	sld [smem:$0x3FFC];
	_ =	sdelay $0x3  }
0x94: {  	_ =	strace s3  }
0x95: {  	s3 =	sld [smem:$0x3FFD];
	_ =	sdelay $0x3  }
0x96: {  	_ =	strace s3  }
0x97: {  	_ =	strace $0x8FFFFFFF  }
0x98: {  	s19 =	sld [smem:$0x3FDB];
	_ =	sdelay $0x1  }
0x99: {  	s4 =	simm.s32 $_scs_section_size  }
0x9a: {  	s5 =	simm.s32 $_size__tile_overlayer_lowered;
	s6 =	simm.s32 $_tile_overlayer_lowered  }
0x9b: {  	s22 =	simm.s32 $0x1BFF;
	s21 =	sshll.u32 s6, $0x1;
	s3 =	sadd.s32 s4, s19  }
0x9c: {  	s7 =	simm.s32 $0x0;
	s20 =	sshll.u32 s5, $0x1;
	s5 =	sadd.s32 s21, s3  }
0x9d: {  	[timem:s7], [sflag:s22] =	dma.local [hbm:s5], s20  }
0x9e: {  	_ =	swait.ge [sflag:s22], s20  }
0x9f: {  	s4 =	ssub.s32 $0x0, s20;
	[sflag:s22] =	ssyncset.done $0x0  }
0xa0: {  	[sflag:s22] =	ssyncadd.s32 s4;
	_ =	sdelay $0x1  }
0xa1: {  	s23 =	simm.s32 $0x1B8B  }
0xa2: {  	_ =	swait.ge [sflag:s23], $0x1  }
0xa3: {  	[sflag:s23] =	ssyncset.done $0x0  }
0xa4: {  	s25 =	simm.s32 $0x1B8E;
	s24 =	sld [smem:$0x3FFE];
	[sflag:s23] =	ssyncadd.s32 $0xFFFFFFFF  }
0xa5: {  	s26 =	simm.s32 $execute0_lowered;
	[smem:$0x3FD2] =	sst s25  }
0xa6: {  	s5 =	sshll.u32 s26, $0x1;
	_ =	strace $0x80000046;
	[dreg:$0x1] =	wrdreg $0xFFFFFFFF  }
0xa7: {  	s28 =	simm.s32 $_size_execute0_lowered;
	s3 =	sadd.s32 s3, s5;
	[dreg:$0x0] =	wrdreg $0x0  }
0xa8: {  	s5 =	sshll.u32 s28, $0x1;
	[dreg:$0x2] =	wrdreg s3  }
0xa9: {  	[dreg:$0x3] =	wrdreg s5  }
0xaa: {  	[dreg:$0x4] =	wrdreg $0xC0  }
0xab: {  	_ =	task [dreg:s7], $0x5FFFF  }
0xac: {  	[dreg:$0x1] =	wrdreg $0xFFFFFFFF  }
0xad: {  	[dreg:$0x0] =	wrdreg $0x60  }
0xae: {  	[dreg:$0x2] =	wrdreg s24  }
0xaf: {  	[dreg:$0x3] =	wrdreg s2  }
0xb0: {  	[dreg:$0x4] =	wrdreg $0x28800  }
0xb1: {  	[dreg:$0x5] =	wrdreg $0x9  }
0xb2: {  	_ =	task.clear_ibuf [dreg:s7], $0x6FFFF;
	_ =	strace $0x90000046  }
0xb3: {  	s29 =	simm.s32 $0x9;
	_ =	strace $0x80000048  }
0xb4: {  	_ =	swait.ge [sflag:s29], $0x1  }
0xb5: {  	[sflag:s29] =	ssyncadd.s32 $0xFFFFFFFF  }
0xb6: {  	_ =	strace $0x90000048  }
0xb7: {  	_ =	sfence  }
0xb8: {  	s30 =	sld [smem:$0x0];
	_ =	sdelay $0x2  }
0xb9: {  	s31 =	sshll.u32 s1, $0xD;
	s1 =	sshrl.u32 s1, $0x2  }
0xba: {  	s3 =	sand.u32 $0x4000, s31;
	s1 =	sadd.s32 s1, s30  }
0xbb: {  	s0 =	sor.u32 s3, s0;
	s1 =	sshll.u32 s1, $0x11  }
0xbc: {  	s0 =	sor.u32 s1, s0  }
0xbd: {  	s0 =	sadd.s32 $0x8F2B, s0  }
0xbe: {  	[sflag:s0] =	ssyncadd.remote.s32 $0x1  }
0xbf: {  	_ =	sfence.sel $0xFFFF  }
0xc0: {  	[dreg:$0x0] =	wrdreg $0xFFFFFFFF;
	(pc) =	sbr.abs _section_cstart, $3  }
0xc1: {  	[dreg:$0x1] =	wrdreg $0xFFFFFFFF  }
0xc2: {  	_ =	task.clear_ibuf [dreg:s7], $0x2FFFF;
	_ =	strace $0x9FFFFFFF  }
0xc3: {  	(tm) =	ssettm $0x7FFFFFFF  }
tec
execute0_lowered:
.L_overlay_start_1:
0x0: {  	(tag) =	ssettag $0x1  }
0x1: {  	s6 =	rddreg [dreg:$0x0]  }
0x2: {  	s1 =	rddreg [dreg:$0x1]  }
0x3: {  	s2 =	rddreg [dreg:$0x2]  }
0x4: {  	s0 =	rddreg [dreg:$0x3];
	s3 =	simm.s32 $0x0  }
0x5: {  	s4 =	srdreg.scid;
	[smem:$0x7FF] =	sst s3  }
0x6: {  	s5 =	sadd.s32 $0x16A00, s6;
	s7 =	sand.u32 $0x1, s4;
	s4 =	stileid.u32  }
0x7: {  	s12 =	sadd.s32 $0xCA00, s6;
	_ =	strace $0x80000047;
	s8 =	smul.u32 $0x500, s7  }
0x8: {  	s9 =	ssub.s32 $0x2, s7;
	s11 =	smul.u32 $0x280, s4;
	s7 =	sshll.u32 s7, $0x4  }
0x9: {  	s31 =	sshll.u32 s4, $0x6;
	s10 =	sshrl.u32 s9, $0x1;
	s7 =	sor.u32 s4, s7  }
0xa: {  	s8 =	sadd.s32 s8, s6;
	s9 =	ssub.s32 s9, s10;
	s30 =	sadd.s32 s11, s2  }
0xb: {  	s13 =	smul.u32 $0x500, s7;
	s15 =	sshrl.u32 s11, $0x3;
	s7 =	simm.s32 $0x2800  }
0xc: {  	s14 =	sadd.s32 $0x16C00, s8;
	s6 =	smax.u32 s9, $0x1;
	s8 =	simm.s32 $0x1  }
0xd: {  	s9 =	sor.u32 $0x1C01, s31;
	s10 =	sshrl.u32 s30, $0x3;
	s11 =	sadd.s32 s13, s12  }
0xe: {  	s12 =	simm.s32 $0x80;
	s13 =	sadd.s32 s15, s14;
	s14 =	simm.s32 $0x0  }
.LBB2_1:
0xf: {  	[tilespmem:s7], [sflag:$0x1] =	stream.linear.gather [hbm4b:s5+s3], $0x80, $0x38;
	[tilespmem:$0x2B00] =	vst v63  }
0x10: {  	_ =	swait.ge [sflag:s8], $0x80  }
0x11: {  	[sflag:s8] =	ssyncset.done $0x0  }
0x12: {  	[sflag:s8] =	ssyncadd.s32 $0xFFFFFF80  }
0x13: {  	[spmem:s10], [sflag:s9] =	dma.local [hbm:s1], $0x50  }
0x14: {  	_ =	swait.ge [sflag:s8], $0x50  }
0x15: {  	[sflag:s8] =	ssyncset.done $0x0  }
0x16: {  	[sflag:s8] =	ssyncadd.s32 $0xFFFFFFB0  }
0x17: {  	[tilespmem:s3], [sflag:$0x1] =	stream.linear.gather [hbm4b:s11+s3], $0x2800, $0x38;
	[tilespmem:$0x2B00] =	vst v63  }
0x18: {  	_ =	swait.ge [sflag:s8], $0x2800  }
0x19: {  	[sflag:s8] =	ssyncset.done $0x0  }
0x1a: {  	[sflag:s8] =	ssyncadd.s32 $0xFFFFD800  }
0x1b: {  	s15 =	simm.s32 $0x0;
	[bflag:$0x0] =	sbarrier.arrive $0xFFFF  }
0x1c: {  	[spmem:s2] =	stream.indirect.scatter.add.f32 [tilespmem:s7], [sflag:$0x1], $0x1, s15, s12, $0xb8;
	[tilespmem:$0x2B00] =	vst v63  }
0x1d: {  	_ =	swait.ge [sflag:s8], $0x80  }
0x1e: {  	s15 =	simm.s32 $0x200;
	[sflag:s8] =	ssyncset.done $0x0  }
.LBB2_2:
0x1f: {  	s16 =	sshra.s32 s15, $0x2;
	[sflag:s8] =	ssyncadd.s32 $0xFFFFFF80;
	p0 =	sne.s32 s15, $0x9E00  }
0x20: {  	[spmem:s2] =	stream.indirect.scatter.add.f32 [tilespmem:s7], [sflag:$0x1], $0x1, s16, s12, $0xb8;
	[tilespmem:$0x2B00] =	vst v63  }
.Ltmp0:
0x21: {  	_ = 	snop;
	(pc) =	sbr.rel @p0 .LBB2_2-.Ltmp0, $4  }
0x22: {  	_ = 	snop  }
0x23: {  	s15 =	sadd.s32 $0x200, s15  }
0x24: {  	_ =	swait.ge [sflag:s8], $0x80  }
0x25: {  	[sflag:s8] =	ssyncset.done $0x0  }
0x26: {  	s14 =	sadd.s32 $0x1, s14  }
0x27: {  	[sflag:s8] =	ssyncadd.s32 $0xFFFFFF80;
	p0 =	sne.s32 s14, s6  }
.Ltmp1:
0x28: {  	[bflag:$0x0] =	sbarrier.arrive $0xFFFF;
	(pc) =	sbr.rel @p0 .LBB2_1-.Ltmp1, $4  }
0x29: {  	[hbm:s13], [sflag:s9] =	dma.local [spmem:s10], $0x50  }
0x2a: {  	_ =	swait.ge [sflag:s8], $0x50  }
0x2b: {  	[sflag:s8] =	ssyncset.done $0x0  }
0x2c: {  	[sflag:s8] =	ssyncadd.s32 $0xFFFFFFB0  }
0x2d: {  	_ =	sfence.sel $0x180000  }
0x2e: {  	[bflag:$0x0] =	sbarrier.arrive $0xFFFF  }
0x2f: {  	p0 =	sne.s32 s4, $0x0;
	_ =	strace $0x90000047  }
0x30: {  	s0 =	sadd.s32 @!p0 $0x100000, s0;
	[bflag:$0x2] =	sbarrier.arrive $0xFFFF  }
0x31: {  	[sflag:s0] =	ssyncadd.tile.s32 @!p0 $0x1;
	_ =	shalt  }
.Lfunc_end2:
_tile_overlayer_lowered:
.L_overlay_start_2:
0x32: {  	(tag) =	ssettag $0x2  }
0x33: {  	s0 =	rddreg [dreg:$0x0];
	s2 =	stileid.u32  }
0x34: {  	s1 =	rddreg [dreg:$0x1];
	p0 =	sne.s32 s2, $0x0  }
0x35: {  	s3 =	rddreg [dreg:$0x2];
	[bflag:$0x3] =	sbarrier.arrive $0xFFFF;
	s2 =	simm.s32 @!p0 $0x1C01  }
0x36: {  	[timem:s3], [sflag:s2] =	dma.local @!p0 [hbm:s0], s1  }
0x37: {  	s0 =	simm.s32 @!p0 $0x1  }
0x38: {  	_ =	swait.ge @!p0 [sflag:s0], s1  }
0x39: {  	s1 =	ssub.s32 @!p0 $0x0, s1;
	[sflag:s0] =	ssyncset.done @!p0 $0x0  }
0x3a: {  	[sflag:s0] =	ssyncadd.s32 @!p0 s1  }
0x3b: {  	[bflag:$0x3] =	sbarrier.arrive $0xFFFF  }
0x3c: {  	_ =	shalt  }

</sc_bundles>
